<compile_context>
chip_gen: v7x
topology: tpu7x:2x2x1
jax: 0.10.2.dev20260603
libtpu: 0.0.44.dev20260713+nightly
codegen_flags: <defaults>
</compile_context>

<pallas_src>
import functools

import jax
import jax.numpy as jnp
from jax import lax
from jax.experimental import pallas as pl
from jax.experimental.pallas import tpu as pltpu
from jax.experimental.pallas import tpu_sc as plsc

N_FEAT = 16384
N_UPD = N_FEAT // 2
N_ROWS = 100000
D = 128

NC = 2
NS = 16
NW = NC * NS
ROWS_PER_W = N_UPD // NW
CHUNK = 128
CHUNKS_PER_W = ROWS_PER_W // CHUNK

_COPY_BLK = 5000
_N_BLOCKS = N_ROWS // _COPY_BLK
_K_SLOTS = 4
_L_AHEAD = 2
_UPD_BLK = 1024
_N_UPD_BLOCKS = N_UPD // _UPD_BLK


def _upd_body(fa_ref, fb_ref, upd_ref):
  a = fa_ref[...]
  b = fb_ref[...]
  na = jnp.sqrt(jnp.sum(a * a, axis=-1, keepdims=True))
  nb = jnp.sqrt(jnp.sum(b * b, axis=-1, keepdims=True))
  u = (a / jnp.maximum(na, 1e-12) + b / jnp.maximum(nb, 1e-12)) * 0.5
  nu = jnp.sqrt(jnp.sum(u * u, axis=-1, keepdims=True))
  upd_ref[...] = u / jnp.maximum(nu, 1e-12)


def _updates(features):
  return pl.pallas_call(
      _upd_body,
      grid=(_N_UPD_BLOCKS,),
      in_specs=[
          pl.BlockSpec((_UPD_BLK, D), lambda i: (i, 0)),
          pl.BlockSpec((_UPD_BLK, D), lambda i: (i + _N_UPD_BLOCKS, 0)),
      ],
      out_specs=pl.BlockSpec((_UPD_BLK, D), lambda i: (i, 0)),
      out_shape=jax.ShapeDtypeStruct((N_UPD, D), jnp.float32),
  )(features, features)


def _copy_body(w_any, out_any, cbuf, lsem0, lsem1, ssem0, ssem1):
  lsems = (lsem0, lsem1)
  ssems = (ssem0, ssem1)

  def load(j):
    return pltpu.make_async_copy(
        w_any.at[pl.ds(j * _COPY_BLK, _COPY_BLK)],
        cbuf.at[j % _K_SLOTS],
        lsems[j % 2])

  def store(j):
    return pltpu.make_async_copy(
        cbuf.at[j % _K_SLOTS],
        out_any.at[pl.ds(j * _COPY_BLK, _COPY_BLK)],
        ssems[j % 2])

  for j in range(_L_AHEAD):
    load(j).start()

  for j in range(_N_BLOCKS):
    nxt = j + _L_AHEAD
    if nxt < _N_BLOCKS:
      if nxt - _K_SLOTS >= 0:
        store(nxt - _K_SLOTS).wait()
      load(nxt).start()
    load(j).wait()
    store(j).start()

  for j in range(max(_N_BLOCKS - _K_SLOTS, 0), _N_BLOCKS):
    store(j).wait()


def _copy(weight):
  return pl.pallas_call(
      _copy_body,
      in_specs=[pl.BlockSpec(memory_space=pltpu.MemorySpace.HBM)],
      out_specs=pl.BlockSpec(memory_space=pltpu.MemorySpace.HBM),
      out_shape=jax.ShapeDtypeStruct((N_ROWS, D), jnp.float32),
      scratch_shapes=[
          pltpu.VMEM((_K_SLOTS, _COPY_BLK, D), jnp.float32),
          pltpu.SemaphoreType.DMA,
          pltpu.SemaphoreType.DMA,
          pltpu.SemaphoreType.DMA,
          pltpu.SemaphoreType.DMA,
      ],
  )(weight)


def _fused_body(w_any, f_any, out_any, upd_any, cbuf, fbuf, ubuf,
                lsem0, lsem1, ssem0, ssem1, fsem, usem):
  lsems = (lsem0, lsem1)
  ssems = (ssem0, ssem1)
  def fchunk(c, half):
    off = half * N_UPD + c * _UPD_BLK
    return pltpu.make_async_copy(
        f_any.at[pl.ds(off, _UPD_BLK)],
        fbuf.at[pl.ds(off, _UPD_BLK)],
        fsem)

  for c in range(_N_UPD_BLOCKS):
    fchunk(c, 0).start()
    fchunk(c, 1).start()

  def load(j):
    return pltpu.make_async_copy(
        w_any.at[pl.ds(j * _COPY_BLK, _COPY_BLK)],
        cbuf.at[j % _K_SLOTS],
        lsems[j % 2])

  def store(j):
    return pltpu.make_async_copy(
        cbuf.at[j % _K_SLOTS],
        out_any.at[pl.ds(j * _COPY_BLK, _COPY_BLK)],
        ssems[j % 2])

  def ustore(c):
    return pltpu.make_async_copy(
        ubuf.at[pl.ds(c * _UPD_BLK, _UPD_BLK)],
        upd_any.at[pl.ds(c * _UPD_BLK, _UPD_BLK)],
        usem)

  for j in range(_L_AHEAD):
    load(j).start()

  for j in range(_N_BLOCKS):
    nxt = j + _L_AHEAD
    if nxt < _N_BLOCKS:
      if nxt - _K_SLOTS >= 0:
        store(nxt - _K_SLOTS).wait()
      load(nxt).start()
    load(j).wait()
    store(j).start()
    if j < _N_UPD_BLOCKS:
      c = j
      fchunk(c, 0).wait()
      fchunk(c, 1).wait()
      sl = pl.ds(c * _UPD_BLK, _UPD_BLK)
      a = fbuf[c * _UPD_BLK:(c + 1) * _UPD_BLK, :]
      b = fbuf[N_UPD + c * _UPD_BLK:N_UPD + (c + 1) * _UPD_BLK, :]
      na = jnp.sqrt(jnp.sum(a * a, axis=-1, keepdims=True))
      nb = jnp.sqrt(jnp.sum(b * b, axis=-1, keepdims=True))
      u = (a / jnp.maximum(na, 1e-12) + b / jnp.maximum(nb, 1e-12)) * 0.5
      nu = jnp.sqrt(jnp.sum(u * u, axis=-1, keepdims=True))
      ubuf[sl] = u / jnp.maximum(nu, 1e-12)
      ustore(c).start()

  for j in range(max(_N_BLOCKS - _K_SLOTS, 0), _N_BLOCKS):
    store(j).wait()
  for c in range(_N_UPD_BLOCKS):
    ustore(c).wait()


def _copy_and_updates(weight, features):
  return pl.pallas_call(
      _fused_body,
      in_specs=[
          pl.BlockSpec(memory_space=pltpu.MemorySpace.HBM),
          pl.BlockSpec(memory_space=pltpu.MemorySpace.HBM),
      ],
      out_specs=[
          pl.BlockSpec(memory_space=pltpu.MemorySpace.HBM),
          pl.BlockSpec(memory_space=pltpu.MemorySpace.HBM),
      ],
      out_shape=[
          jax.ShapeDtypeStruct((N_ROWS, D), jnp.float32),
          jax.ShapeDtypeStruct((N_UPD, D), jnp.float32),
      ],
      scratch_shapes=[
          pltpu.VMEM((_K_SLOTS, _COPY_BLK, D), jnp.float32),
          pltpu.VMEM((N_FEAT, D), jnp.float32),
          pltpu.VMEM((N_UPD, D), jnp.float32),
          pltpu.SemaphoreType.DMA,
          pltpu.SemaphoreType.DMA,
          pltpu.SemaphoreType.DMA,
          pltpu.SemaphoreType.DMA,
          pltpu.SemaphoreType.DMA,
          pltpu.SemaphoreType.DMA,
      ],
  )(weight, features)


def _scatter_body(upd_hbm, lab_hbm, out_hbm, lab_v, rows_v, sem, sem2):
  wid = lax.axis_index("s") * NC + lax.axis_index("c")
  base = wid * ROWS_PER_W
  c1 = pltpu.make_async_copy(
      lab_hbm.at[pl.ds(wid * CHUNKS_PER_W, CHUNKS_PER_W)], lab_v, sem)
  c2 = pltpu.make_async_copy(
      upd_hbm.at[pl.ds(base, ROWS_PER_W)], rows_v, sem)
  c1.start()
  c2.start()
  c1.wait()
  c2.wait()
  scatters = [
      pltpu.make_async_copy(
          rows_v.at[pl.ds(j * CHUNK, CHUNK)],
          out_hbm.at[lab_v.at[j]],
          sem2,
      )
      for j in range(CHUNKS_PER_W)
  ]
  for s in scatters:
    s.start()
  for s in scatters:
    s.wait()


@functools.cache
def _scatter():
  return pl.kernel(
      _scatter_body,
      out_type=(),
      mesh=plsc.VectorSubcoreMesh(
          core_axis_name="c", subcore_axis_name="s",
          num_cores=NC, num_subcores=NS,
      ),
      scratch_types=[
          pltpu.VMEM((CHUNKS_PER_W, CHUNK), jnp.int32),
          pltpu.VMEM((ROWS_PER_W, D), jnp.float32),
          pltpu.SemaphoreType.DMA,
          pltpu.SemaphoreType.DMA,
      ],
  )


_SC_COPY_CHUNK = 128
_SC_TOT_CHUNKS = (N_ROWS + _SC_COPY_CHUNK - 1) // _SC_COPY_CHUNK


def _sc_copy_body(w_hbm, out_hbm, buf_v, sem_l, sem_s):
  wid = lax.axis_index("s") * NC + lax.axis_index("c")
  nloc = (_SC_TOT_CHUNKS - wid + NW - 1) // NW

  def start_of(j):
    k = wid + j * NW
    return pl.multiple_of(
        jnp.minimum(k * _SC_COPY_CHUNK, N_ROWS - _SC_COPY_CHUNK), 8)

  def load(j, slot):
    return pltpu.make_async_copy(
        w_hbm.at[pl.ds(start_of(j), _SC_COPY_CHUNK)], buf_v.at[slot], sem_l)

  def store(j, slot):
    return pltpu.make_async_copy(
        buf_v.at[slot], out_hbm.at[pl.ds(start_of(j), _SC_COPY_CHUNK)], sem_s)

  load(0, 0).start()

  def step(j, _):
    slot = lax.rem(j, 2)
    nslot = 1 - slot
    @pl.when(j + 1 < nloc)
    def _():
      load(j + 1, nslot).start()
    load(j, slot).wait()
    store(j, slot).start()
    @pl.when(j > 0)
    def _():
      store(j - 1, nslot).wait()
    return 0

  lax.fori_loop(0, nloc, step, 0)
  store(nloc - 1, lax.rem(nloc - 1, 2)).wait()


@functools.cache
def _sc_copy():
  return pl.kernel(
      _sc_copy_body,
      out_type=jax.ShapeDtypeStruct((N_ROWS, D), jnp.float32),
      mesh=plsc.VectorSubcoreMesh(
          core_axis_name="c", subcore_axis_name="s",
          num_cores=NC, num_subcores=NS,
      ),
      scratch_types=[
          pltpu.VMEM((2, _SC_COPY_CHUNK, D), jnp.float32),
          pltpu.SemaphoreType.DMA,
          pltpu.SemaphoreType.DMA,
      ],
  )


def _noop_body(upd_hbm, lab_hbm, out_hbm):
  pass


@functools.cache
def _noop():
  return pl.kernel(
      _noop_body,
      out_type=(),
      mesh=plsc.VectorSubcoreMesh(
          core_axis_name="c", subcore_axis_name="s",
          num_cores=NC, num_subcores=NS,
      ),
      scratch_types=[],
  )


def kernel(features, labels, weight):
  labels2d = labels[:N_UPD].reshape(NW * CHUNKS_PER_W, CHUNK)
  out0, updates = _copy_and_updates(weight, features)
  out_ref = jax.new_ref(out0)
  _scatter()(updates, labels2d, out_ref)
  return out_ref[...]

# --- scband reference (transcript-rebuilt; emitter-appended) ---
"""Pipeline reference for scband-dwi-87033217286640 (READ-ONLY COPY).

The authoritative reference and input builder live on the scoring server;
editing this copy changes nothing except your own understanding.
"""

import jax, jax.numpy as jnp
import numpy as np


def _normalize(x, eps=1e-12):
    n = jnp.linalg.norm(x, axis=-1, keepdims=True)
    return x / jnp.maximum(n, eps)


def setup_inputs(seed: int = 0) -> dict:
    key = jax.random.key(seed)
    k1, k2, k3 = jax.random.split(key, 3)
    features = jax.random.normal(k1, (16384, 128), dtype=jnp.float32)
    labels = jax.random.randint(k2, (16384,), 0, 100000, dtype=jnp.int32)
    weight = jax.random.normal(k3, (100000, 128), dtype=jnp.float32)
    return {"features": features, "labels": labels, "weight": weight}


def reference(features, labels, weight):
    # Faithful translation of DWI.forward: weight memory update via scatter-set.
    id_num = features.shape[0] // 2
    features_norm = _normalize(features)
    features_norm_id = features_norm[:id_num]
    features_norm_self = features_norm[id_num:]
    weights_update = (features_norm_id + features_norm_self) / 2.0
    weights_update = _normalize(weights_update)
    new_weight = weight.at[labels[:id_num]].set(weights_update)
    return new_weight

if __name__ == "__main__":
    import jax
    _d = setup_inputs()
    print(jax.jit(kernel)(*tuple(_d.values())))

</pallas_src>

<mosaic_0001>
#map = affine_map<(d0, d1) -> (0, 0)>
module attributes {stable_mosaic.version = 14 : i64} {
  func.func @new_body(%arg0: i32, %arg1: i32, %arg2: memref<8192x128xf32, #tpu.memory_space<hbm>>, %arg3: memref<64x128xi32, #tpu.memory_space<hbm>>, %arg4: memref<100000x128xf32, #tpu.memory_space<hbm>>, %arg5: memref<100000x128xf32, #tpu.memory_space<hbm>>, %arg6: memref<2x128xi32, #tpu.memory_space<vmem>>, %arg7: memref<256x128xf32, #tpu.memory_space<vmem>>, %arg8: memref<!tpu.dma_semaphore, #tpu.memory_space<semaphore_mem>>, %arg9: memref<!tpu.dma_semaphore, #tpu.memory_space<semaphore_mem>>) attributes {dimension_semantics = [#tpu.dimension_semantics<core_parallel>, #tpu.dimension_semantics<subcore_parallel>], iteration_bounds = array<i64: 2, 16>, scalar_prefetch = 0 : i64, scratch_operands = 4 : i64, tpu.core_type = #tpu.core_type<sc_vector_subcore>, window_params = [{transform_indices = #map}, {transform_indices = #map}, {transform_indices = #map}, {transform_indices = #map}]} {
    %mul3A = arith.constant 2 : i32
    %mul3A_0 = arith.muli %arg1, %mul3A : i32
    %add3A = arith.addi %mul3A_0, %arg0 : i32
    %mul3A_1 = arith.constant 256 : i32
    %mul3A_2 = arith.muli %add3A, %mul3A_1 : i32
    %mul3A_3 = arith.constant 2 : i32
    %mul3A_4 = arith.muli %add3A, %mul3A_3 : i32
    %dma_start3A = arith.constant 0 : i32
    %dma_start3A_5 = tpu.memref_slice %arg3[%mul3A_4, %dma_start3A] : memref<64x128xi32, #tpu.memory_space<hbm>> -> memref<2x128xi32, #tpu.memory_space<hbm>>
    %dma_start3A_6 = arith.constant 0 : i32
    %dma_start3A_7 = tpu.memref_slice %arg3[%mul3A_4, %dma_start3A_6] : memref<64x128xi32, #tpu.memory_space<hbm>> -> memref<2x128xi32, #tpu.memory_space<hbm>>
    tpu.enqueue_dma source(%dma_start3A_7 : memref<2x128xi32, #tpu.memory_space<hbm>>) target(%arg6 : memref<2x128xi32, #tpu.memory_space<vmem>>) target_semaphore(%arg8 : memref<!tpu.dma_semaphore, #tpu.memory_space<semaphore_mem>>)
    %dma_start3A_8 = arith.constant 0 : i32
    %dma_start3A_9 = tpu.memref_slice %arg2[%mul3A_2, %dma_start3A_8] : memref<8192x128xf32, #tpu.memory_space<hbm>> -> memref<256x128xf32, #tpu.memory_space<hbm>>
    %dma_start3A_10 = arith.constant 0 : i32
    %dma_start3A_11 = tpu.memref_slice %arg2[%mul3A_2, %dma_start3A_10] : memref<8192x128xf32, #tpu.memory_space<hbm>> -> memref<256x128xf32, #tpu.memory_space<hbm>>
    tpu.enqueue_dma source(%dma_start3A_11 : memref<256x128xf32, #tpu.memory_space<hbm>>) target(%arg7 : memref<256x128xf32, #tpu.memory_space<vmem>>) target_semaphore(%arg8 : memref<!tpu.dma_semaphore, #tpu.memory_space<semaphore_mem>>)
    %dma_wait3A = arith.constant 0 : i32
    %dma_wait3A_12 = tpu.memref_slice %arg3[%mul3A_4, %dma_wait3A] : memref<64x128xi32, #tpu.memory_space<hbm>> -> memref<2x128xi32, #tpu.memory_space<hbm>>
    %dma_wait3A_13 = arith.constant 0 : i32
    %dma_wait3A_14 = tpu.memref_slice %arg3[%mul3A_4, %dma_wait3A_13] : memref<64x128xi32, #tpu.memory_space<hbm>> -> memref<2x128xi32, #tpu.memory_space<hbm>>
    tpu.wait_dma2 semaphore(%arg8 : memref<!tpu.dma_semaphore, #tpu.memory_space<semaphore_mem>>) src(%dma_wait3A_14 : memref<2x128xi32, #tpu.memory_space<hbm>>) dst(%arg6 : memref<2x128xi32, #tpu.memory_space<vmem>>)
    %dma_wait3A_15 = arith.constant 0 : i32
    %dma_wait3A_16 = tpu.memref_slice %arg2[%mul3A_2, %dma_wait3A_15] : memref<8192x128xf32, #tpu.memory_space<hbm>> -> memref<256x128xf32, #tpu.memory_space<hbm>>
    %dma_wait3A_17 = arith.constant 0 : i32
    %dma_wait3A_18 = tpu.memref_slice %arg2[%mul3A_2, %dma_wait3A_17] : memref<8192x128xf32, #tpu.memory_space<hbm>> -> memref<256x128xf32, #tpu.memory_space<hbm>>
    tpu.wait_dma2 semaphore(%arg8 : memref<!tpu.dma_semaphore, #tpu.memory_space<semaphore_mem>>) src(%dma_wait3A_18 : memref<256x128xf32, #tpu.memory_space<hbm>>) dst(%arg7 : memref<256x128xf32, #tpu.memory_space<vmem>>)
    %dma_start3A_19 = arith.constant 0 : i32
    %dma_start3A_20 = arith.constant 0 : i32
    %dma_start3A_21 = arith.constant 0 : i32
    %dma_start3A_22 = tpu.memref_slice %arg7[%dma_start3A_20, %dma_start3A_21] : memref<256x128xf32, #tpu.memory_space<vmem>> -> memref<128x128xf32, #tpu.memory_space<vmem>>
    %dma_start3A_23 = arith.constant 0 : i32
    %dma_start3A_24 = tpu.memref_slice %arg6[%dma_start3A_19, %dma_start3A_23] : memref<2x128xi32, #tpu.memory_space<vmem>> -> memref<1x128xi32, #tpu.memory_space<vmem>>
    %dma_start3A_25 = tpu.memref_squeeze %dma_start3A_24 : memref<1x128xi32, #tpu.memory_space<vmem>> -> memref<128xi32, #tpu.memory_space<vmem>>
    %dma_start3A_26 = arith.constant 0 : i32
    %dma_start3A_27 = arith.constant 0 : i32
    %dma_start3A_28 = tpu.memref_slice %arg4[%dma_start3A_26, %dma_start3A_27] : memref<100000x128xf32, #tpu.memory_space<hbm>> -> memref<100000x128xf32, #tpu.memory_space<hbm>>
    tpu.enqueue_indirect_dma source(%dma_start3A_22 : memref<128x128xf32, #tpu.memory_space<vmem>>) target(%dma_start3A_28 : memref<100000x128xf32, #tpu.memory_space<hbm>>) offsets(%dma_start3A_25 : memref<128xi32, #tpu.memory_space<vmem>>) semaphore(%arg9 : memref<!tpu.dma_semaphore, #tpu.memory_space<semaphore_mem>>)
    %dma_start3A_29 = arith.constant 1 : i32
    %dma_start3A_30 = arith.constant 128 : i32
    %dma_start3A_31 = arith.constant 0 : i32
    %dma_start3A_32 = tpu.memref_slice %arg7[%dma_start3A_30, %dma_start3A_31] : memref<256x128xf32, #tpu.memory_space<vmem>> -> memref<128x128xf32, #tpu.memory_space<vmem>>
    %dma_start3A_33 = arith.constant 0 : i32
    %dma_start3A_34 = tpu.memref_slice %arg6[%dma_start3A_29, %dma_start3A_33] : memref<2x128xi32, #tpu.memory_space<vmem>> -> memref<1x128xi32, #tpu.memory_space<vmem>>
    %dma_start3A_35 = tpu.memref_squeeze %dma_start3A_34 : memref<1x128xi32, #tpu.memory_space<vmem>> -> memref<128xi32, #tpu.memory_space<vmem>>
    %dma_start3A_36 = arith.constant 0 : i32
    %dma_start3A_37 = arith.constant 0 : i32
    %dma_start3A_38 = tpu.memref_slice %arg4[%dma_start3A_36, %dma_start3A_37] : memref<100000x128xf32, #tpu.memory_space<hbm>> -> memref<100000x128xf32, #tpu.memory_space<hbm>>
    tpu.enqueue_indirect_dma source(%dma_start3A_32 : memref<128x128xf32, #tpu.memory_space<vmem>>) target(%dma_start3A_38 : memref<100000x128xf32, #tpu.memory_space<hbm>>) offsets(%dma_start3A_35 : memref<128xi32, #tpu.memory_space<vmem>>) semaphore(%arg9 : memref<!tpu.dma_semaphore, #tpu.memory_space<semaphore_mem>>)
    %dma_wait3A_39 = arith.constant 0 : i32
    %dma_wait3A_40 = arith.constant 0 : i32
    %dma_wait3A_41 = arith.constant 0 : i32
    %dma_wait3A_42 = tpu.memref_slice %arg7[%dma_wait3A_40, %dma_wait3A_41] : memref<256x128xf32, #tpu.memory_space<vmem>> -> memref<128x128xf32, #tpu.memory_space<vmem>>
    %dma_wait3A_43 = arith.constant 0 : i32
    %dma_wait3A_44 = tpu.memref_slice %arg6[%dma_wait3A_39, %dma_wait3A_43] : memref<2x128xi32, #tpu.memory_space<vmem>> -> memref<1x128xi32, #tpu.memory_space<vmem>>
    %dma_wait3A_45 = tpu.memref_squeeze %dma_wait3A_44 : memref<1x128xi32, #tpu.memory_space<vmem>> -> memref<128xi32, #tpu.memory_space<vmem>>
    %dma_wait3A_46 = arith.constant 0 : i32
    %dma_wait3A_47 = arith.constant 0 : i32
    %dma_wait3A_48 = tpu.memref_slice %arg4[%dma_wait3A_46, %dma_wait3A_47] : memref<100000x128xf32, #tpu.memory_space<hbm>> -> memref<100000x128xf32, #tpu.memory_space<hbm>>
    tpu.wait_indirect_dma semaphore(%arg9 : memref<!tpu.dma_semaphore, #tpu.memory_space<semaphore_mem>>) src(%dma_wait3A_42 : memref<128x128xf32, #tpu.memory_space<vmem>>) dst(%dma_wait3A_48 : memref<100000x128xf32, #tpu.memory_space<hbm>>)
    %dma_wait3A_49 = arith.constant 1 : i32
    %dma_wait3A_50 = arith.constant 128 : i32
    %dma_wait3A_51 = arith.constant 0 : i32
    %dma_wait3A_52 = tpu.memref_slice %arg7[%dma_wait3A_50, %dma_wait3A_51] : memref<256x128xf32, #tpu.memory_space<vmem>> -> memref<128x128xf32, #tpu.memory_space<vmem>>
    %dma_wait3A_53 = arith.constant 0 : i32
    %dma_wait3A_54 = tpu.memref_slice %arg6[%dma_wait3A_49, %dma_wait3A_53] : memref<2x128xi32, #tpu.memory_space<vmem>> -> memref<1x128xi32, #tpu.memory_space<vmem>>
    %dma_wait3A_55 = tpu.memref_squeeze %dma_wait3A_54 : memref<1x128xi32, #tpu.memory_space<vmem>> -> memref<128xi32, #tpu.memory_space<vmem>>
    %dma_wait3A_56 = arith.constant 0 : i32
    %dma_wait3A_57 = arith.constant 0 : i32
    %dma_wait3A_58 = tpu.memref_slice %arg4[%dma_wait3A_56, %dma_wait3A_57] : memref<100000x128xf32, #tpu.memory_space<hbm>> -> memref<100000x128xf32, #tpu.memory_space<hbm>>
    tpu.wait_indirect_dma semaphore(%arg9 : memref<!tpu.dma_semaphore, #tpu.memory_space<semaphore_mem>>) src(%dma_wait3A_52 : memref<128x128xf32, #tpu.memory_space<vmem>>) dst(%dma_wait3A_58 : memref<100000x128xf32, #tpu.memory_space<hbm>>)
    return
  }
}

module attributes {stable_mosaic.version = 14 : i64} {
  func.func @_fused_body(%arg0: memref<100000x128xf32, #tpu.memory_space<hbm>>, %arg1: memref<16384x128xf32, #tpu.memory_space<hbm>>, %arg2: memref<100000x128xf32, #tpu.memory_space<hbm>>, %arg3: memref<8192x128xf32, #tpu.memory_space<hbm>>, %arg4: memref<4x5000x128xf32, #tpu.memory_space<vmem>>, %arg5: memref<16384x128xf32, #tpu.memory_space<vmem>>, %arg6: memref<8192x128xf32, #tpu.memory_space<vmem>>, %arg7: memref<!tpu.dma_semaphore, #tpu.memory_space<semaphore_mem>>, %arg8: memref<!tpu.dma_semaphore, #tpu.memory_space<semaphore_mem>>, %arg9: memref<!tpu.dma_semaphore, #tpu.memory_space<semaphore_mem>>, %arg10: memref<!tpu.dma_semaphore, #tpu.memory_space<semaphore_mem>>, %arg11: memref<!tpu.dma_semaphore, #tpu.memory_space<semaphore_mem>>, %arg12: memref<!tpu.dma_semaphore, #tpu.memory_space<semaphore_mem>>) attributes {dimension_semantics = [], scalar_prefetch = 0 : i64, scratch_operands = 9 : i64, tpu.core_type = #tpu.core_type<tc>} {
    %dma_start3A = arith.constant 0 : i32
    %dma_start3A_0 = arith.constant 0 : i32
    %dma_start3A_1 = tpu.memref_slice %arg5[%dma_start3A, %dma_start3A_0] : memref<16384x128xf32, #tpu.memory_space<vmem>> -> memref<1024x128xf32, #tpu.memory_space<vmem>>
    %dma_start3A_2 = arith.constant 0 : i32
    %dma_start3A_3 = arith.constant 0 : i32
    %dma_start3A_4 = tpu.memref_slice %arg1[%dma_start3A_2, %dma_start3A_3] : memref<16384x128xf32, #tpu.memory_space<hbm>> -> memref<1024x128xf32, #tpu.memory_space<hbm>>
    tpu.enqueue_dma source(%dma_start3A_4 : memref<1024x128xf32, #tpu.memory_space<hbm>>) target(%dma_start3A_1 : memref<1024x128xf32, #tpu.memory_space<vmem>>) target_semaphore(%arg11 : memref<!tpu.dma_semaphore, #tpu.memory_space<semaphore_mem>>)
    %dma_start3A_5 = arith.constant 8192 : i32
    %dma_start3A_6 = arith.constant 0 : i32
    %dma_start3A_7 = tpu.memref_slice %arg5[%dma_start3A_5, %dma_start3A_6] : memref<16384x128xf32, #tpu.memory_space<vmem>> -> memref<1024x128xf32, #tpu.memory_space<vmem>>
    %dma_start3A_8 = arith.constant 8192 : i32
    %dma_start3A_9 = arith.constant 0 : i32
    %dma_start3A_10 = tpu.memref_slice %arg1[%dma_start3A_8, %dma_start3A_9] : memref<16384x128xf32, #tpu.memory_space<hbm>> -> memref<1024x128xf32, #tpu.memory_space<hbm>>
    tpu.enqueue_dma source(%dma_start3A_10 : memref<1024x128xf32, #tpu.memory_space<hbm>>) target(%dma_start3A_7 : memref<1024x128xf32, #tpu.memory_space<vmem>>) target_semaphore(%arg11 : memref<!tpu.dma_semaphore, #tpu.memory_space<semaphore_mem>>)
    %dma_start3A_11 = arith.constant 1024 : i32
    %dma_start3A_12 = arith.constant 0 : i32
    %dma_start3A_13 = tpu.memref_slice %arg5[%dma_start3A_11, %dma_start3A_12] : memref<16384x128xf32, #tpu.memory_space<vmem>> -> memref<1024x128xf32, #tpu.memory_space<vmem>>
    %dma_start3A_14 = arith.constant 1024 : i32
    %dma_start3A_15 = arith.constant 0 : i32
    %dma_start3A_16 = tpu.memref_slice %arg1[%dma_start3A_14, %dma_start3A_15] : memref<16384x128xf32, #tpu.memory_space<hbm>> -> memref<1024x128xf32, #tpu.memory_space<hbm>>
    tpu.enqueue_dma source(%dma_start3A_16 : memref<1024x128xf32, #tpu.memory_space<hbm>>) target(%dma_start3A_13 : memref<1024x128xf32, #tpu.memory_space<vmem>>) target_semaphore(%arg11 : memref<!tpu.dma_semaphore, #tpu.memory_space<semaphore_mem>>)
    %dma_start3A_17 = arith.constant 9216 : i32
    %dma_start3A_18 = arith.constant 0 : i32
    %dma_start3A_19 = tpu.memref_slice %arg5[%dma_start3A_17, %dma_start3A_18] : memref<16384x128xf32, #tpu.memory_space<vmem>> -> memref<1024x128xf32, #tpu.memory_space<vmem>>
    %dma_start3A_20 = arith.constant 9216 : i32
    %dma_start3A_21 = arith.constant 0 : i32
    %dma_start3A_22 = tpu.memref_slice %arg1[%dma_start3A_20, %dma_start3A_21] : memref<16384x128xf32, #tpu.memory_space<hbm>> -> memref<1024x128xf32, #tpu.memory_space<hbm>>
    tpu.enqueue_dma source(%dma_start3A_22 : memref<1024x128xf32, #tpu.memory_space<hbm>>) target(%dma_start3A_19 : memref<1024x128xf32, #tpu.memory_space<vmem>>) target_semaphore(%arg11 : memref<!tpu.dma_semaphore, #tpu.memory_space<semaphore_mem>>)
    %dma_start3A_23 = arith.constant 2048 : i32
    %dma_start3A_24 = arith.constant 0 : i32
    %dma_start3A_25 = tpu.memref_slice %arg5[%dma_start3A_23, %dma_start3A_24] : memref<16384x128xf32, #tpu.memory_space<vmem>> -> memref<1024x128xf32, #tpu.memory_space<vmem>>
    %dma_start3A_26 = arith.constant 2048 : i32
    %dma_start3A_27 = arith.constant 0 : i32
    %dma_start3A_28 = tpu.memref_slice %arg1[%dma_start3A_26, %dma_start3A_27] : memref<16384x128xf32, #tpu.memory_space<hbm>> -> memref<1024x128xf32, #tpu.memory_space<hbm>>
    tpu.enqueue_dma source(%dma_start3A_28 : memref<1024x128xf32, #tpu.memory_space<hbm>>) target(%dma_start3A_25 : memref<1024x128xf32, #tpu.memory_space<vmem>>) target_semaphore(%arg11 : memref<!tpu.dma_semaphore, #tpu.memory_space<semaphore_mem>>)
    %dma_start3A_29 = arith.constant 10240 : i32
    %dma_start3A_30 = arith.constant 0 : i32
    %dma_start3A_31 = tpu.memref_slice %arg5[%dma_start3A_29, %dma_start3A_30] : memref<16384x128xf32, #tpu.memory_space<vmem>> -> memref<1024x128xf32, #tpu.memory_space<vmem>>
    %dma_start3A_32 = arith.constant 10240 : i32
    %dma_start3A_33 = arith.constant 0 : i32
    %dma_start3A_34 = tpu.memref_slice %arg1[%dma_start3A_32, %dma_start3A_33] : memref<16384x128xf32, #tpu.memory_space<hbm>> -> memref<1024x128xf32, #tpu.memory_space<hbm>>
    tpu.enqueue_dma source(%dma_start3A_34 : memref<1024x128xf32, #tpu.memory_space<hbm>>) target(%dma_start3A_31 : memref<1024x128xf32, #tpu.memory_space<vmem>>) target_semaphore(%arg11 : memref<!tpu.dma_semaphore, #tpu.memory_space<semaphore_mem>>)
    %dma_start3A_35 = arith.constant 3072 : i32
    %dma_start3A_36 = arith.constant 0 : i32
    %dma_start3A_37 = tpu.memref_slice %arg5[%dma_start3A_35, %dma_start3A_36] : memref<16384x128xf32, #tpu.memory_space<vmem>> -> memref<1024x128xf32, #tpu.memory_space<vmem>>
    %dma_start3A_38 = arith.constant 3072 : i32
    %dma_start3A_39 = arith.constant 0 : i32
    %dma_start3A_40 = tpu.memref_slice %arg1[%dma_start3A_38, %dma_start3A_39] : memref<16384x128xf32, #tpu.memory_space<hbm>> -> memref<1024x128xf32, #tpu.memory_space<hbm>>
    tpu.enqueue_dma source(%dma_start3A_40 : memref<1024x128xf32, #tpu.memory_space<hbm>>) target(%dma_start3A_37 : memref<1024x128xf32, #tpu.memory_space<vmem>>) target_semaphore(%arg11 : memref<!tpu.dma_semaphore, #tpu.memory_space<semaphore_mem>>)
    %dma_start3A_41 = arith.constant 11264 : i32
    %dma_start3A_42 = arith.constant 0 : i32
    %dma_start3A_43 = tpu.memref_slice %arg5[%dma_start3A_41, %dma_start3A_42] : memref<16384x128xf32, #tpu.memory_space<vmem>> -> memref<1024x128xf32, #tpu.memory_space<vmem>>
    %dma_start3A_44 = arith.constant 11264 : i32
    %dma_start3A_45 = arith.constant 0 : i32
    %dma_start3A_46 = tpu.memref_slice %arg1[%dma_start3A_44, %dma_start3A_45] : memref<16384x128xf32, #tpu.memory_space<hbm>> -> memref<1024x128xf32, #tpu.memory_space<hbm>>
    tpu.enqueue_dma source(%dma_start3A_46 : memref<1024x128xf32, #tpu.memory_space<hbm>>) target(%dma_start3A_43 : memref<1024x128xf32, #tpu.memory_space<vmem>>) target_semaphore(%arg11 : memref<!tpu.dma_semaphore, #tpu.memory_space<semaphore_mem>>)
    %dma_start3A_47 = arith.constant 4096 : i32
    %dma_start3A_48 = arith.constant 0 : i32
    %dma_start3A_49 = tpu.memref_slice %arg5[%dma_start3A_47, %dma_start3A_48] : memref<16384x128xf32, #tpu.memory_space<vmem>> -> memref<1024x128xf32, #tpu.memory_space<vmem>>
    %dma_start3A_50 = arith.constant 4096 : i32
    %dma_start3A_51 = arith.constant 0 : i32
    %dma_start3A_52 = tpu.memref_slice %arg1[%dma_start3A_50, %dma_start3A_51] : memref<16384x128xf32, #tpu.memory_space<hbm>> -> memref<1024x128xf32, #tpu.memory_space<hbm>>
    tpu.enqueue_dma source(%dma_start3A_52 : memref<1024x128xf32, #tpu.memory_space<hbm>>) target(%dma_start3A_49 : memref<1024x128xf32, #tpu.memory_space<vmem>>) target_semaphore(%arg11 : memref<!tpu.dma_semaphore, #tpu.memory_space<semaphore_mem>>)
    %dma_start3A_53 = arith.constant 12288 : i32
    %dma_start3A_54 = arith.constant 0 : i32
    %dma_start3A_55 = tpu.memref_slice %arg5[%dma_start3A_53, %dma_start3A_54] : memref<16384x128xf32, #tpu.memory_space<vmem>> -> memref<1024x128xf32, #tpu.memory_space<vmem>>
    %dma_start3A_56 = arith.constant 12288 : i32
    %dma_start3A_57 = arith.constant 0 : i32
    %dma_start3A_58 = tpu.memref_slice %arg1[%dma_start3A_56, %dma_start3A_57] : memref<16384x128xf32, #tpu.memory_space<hbm>> -> memref<1024x128xf32, #tpu.memory_space<hbm>>
    tpu.enqueue_dma source(%dma_start3A_58 : memref<1024x128xf32, #tpu.memory_space<hbm>>) target(%dma_start3A_55 : memref<1024x128xf32, #tpu.memory_space<vmem>>) target_semaphore(%arg11 : memref<!tpu.dma_semaphore, #tpu.memory_space<semaphore_mem>>)
    %dma_start3A_59 = arith.constant 5120 : i32
    %dma_start3A_60 = arith.constant 0 : i32
    %dma_start3A_61 = tpu.memref_slice %arg5[%dma_start3A_59, %dma_start3A_60] : memref<16384x128xf32, #tpu.memory_space<vmem>> -> memref<1024x128xf32, #tpu.memory_space<vmem>>
    %dma_start3A_62 = arith.constant 5120 : i32
    %dma_start3A_63 = arith.constant 0 : i32
    %dma_start3A_64 = tpu.memref_slice %arg1[%dma_start3A_62, %dma_start3A_63] : memref<16384x128xf32, #tpu.memory_space<hbm>> -> memref<1024x128xf32, #tpu.memory_space<hbm>>
    tpu.enqueue_dma source(%dma_start3A_64 : memref<1024x128xf32, #tpu.memory_space<hbm>>) target(%dma_start3A_61 : memref<1024x128xf32, #tpu.memory_space<vmem>>) target_semaphore(%arg11 : memref<!tpu.dma_semaphore, #tpu.memory_space<semaphore_mem>>)
    %dma_start3A_65 = arith.constant 13312 : i32
    %dma_start3A_66 = arith.constant 0 : i32
    %dma_start3A_67 = tpu.memref_slice %arg5[%dma_start3A_65, %dma_start3A_66] : memref<16384x128xf32, #tpu.memory_space<vmem>> -> memref<1024x128xf32, #tpu.memory_space<vmem>>
    %dma_start3A_68 = arith.constant 13312 : i32
    %dma_start3A_69 = arith.constant 0 : i32
    %dma_start3A_70 = tpu.memref_slice %arg1[%dma_start3A_68, %dma_start3A_69] : memref<16384x128xf32, #tpu.memory_space<hbm>> -> memref<1024x128xf32, #tpu.memory_space<hbm>>
    tpu.enqueue_dma source(%dma_start3A_70 : memref<1024x128xf32, #tpu.memory_space<hbm>>) target(%dma_start3A_67 : memref<1024x128xf32, #tpu.memory_space<vmem>>) target_semaphore(%arg11 : memref<!tpu.dma_semaphore, #tpu.memory_space<semaphore_mem>>)
    %dma_start3A_71 = arith.constant 6144 : i32
    %dma_start3A_72 = arith.constant 0 : i32
    %dma_start3A_73 = tpu.memref_slice %arg5[%dma_start3A_71, %dma_start3A_72] : memref<16384x128xf32, #tpu.memory_space<vmem>> -> memref<1024x128xf32, #tpu.memory_space<vmem>>
    %dma_start3A_74 = arith.constant 6144 : i32
    %dma_start3A_75 = arith.constant 0 : i32
    %dma_start3A_76 = tpu.memref_slice %arg1[%dma_start3A_74, %dma_start3A_75] : memref<16384x128xf32, #tpu.memory_space<hbm>> -> memref<1024x128xf32, #tpu.memory_space<hbm>>
    tpu.enqueue_dma source(%dma_start3A_76 : memref<1024x128xf32, #tpu.memory_space<hbm>>) target(%dma_start3A_73 : memref<1024x128xf32, #tpu.memory_space<vmem>>) target_semaphore(%arg11 : memref<!tpu.dma_semaphore, #tpu.memory_space<semaphore_mem>>)
    %dma_start3A_77 = arith.constant 14336 : i32
    %dma_start3A_78 = arith.constant 0 : i32
    %dma_start3A_79 = tpu.memref_slice %arg5[%dma_start3A_77, %dma_start3A_78] : memref<16384x128xf32, #tpu.memory_space<vmem>> -> memref<1024x128xf32, #tpu.memory_space<vmem>>
    %dma_start3A_80 = arith.constant 14336 : i32
    %dma_start3A_81 = arith.constant 0 : i32
    %dma_start3A_82 = tpu.memref_slice %arg1[%dma_start3A_80, %dma_start3A_81] : memref<16384x128xf32, #tpu.memory_space<hbm>> -> memref<1024x128xf32, #tpu.memory_space<hbm>>
    tpu.enqueue_dma source(%dma_start3A_82 : memref<1024x128xf32, #tpu.memory_space<hbm>>) target(%dma_start3A_79 : memref<1024x128xf32, #tpu.memory_space<vmem>>) target_semaphore(%arg11 : memref<!tpu.dma_semaphore, #tpu.memory_space<semaphore_mem>>)
    %dma_start3A_83 = arith.constant 7168 : i32
    %dma_start3A_84 = arith.constant 0 : i32
    %dma_start3A_85 = tpu.memref_slice %arg5[%dma_start3A_83, %dma_start3A_84] : memref<16384x128xf32, #tpu.memory_space<vmem>> -> memref<1024x128xf32, #tpu.memory_space<vmem>>
    %dma_start3A_86 = arith.constant 7168 : i32
    %dma_start3A_87 = arith.constant 0 : i32
    %dma_start3A_88 = tpu.memref_slice %arg1[%dma_start3A_86, %dma_start3A_87] : memref<16384x128xf32, #tpu.memory_space<hbm>> -> memref<1024x128xf32, #tpu.memory_space<hbm>>
    tpu.enqueue_dma source(%dma_start3A_88 : memref<1024x128xf32, #tpu.memory_space<hbm>>) target(%dma_start3A_85 : memref<1024x128xf32, #tpu.memory_space<vmem>>) target_semaphore(%arg11 : memref<!tpu.dma_semaphore, #tpu.memory_space<semaphore_mem>>)
    %dma_start3A_89 = arith.constant 15360 : i32
    %dma_start3A_90 = arith.constant 0 : i32
    %dma_start3A_91 = tpu.memref_slice %arg5[%dma_start3A_89, %dma_start3A_90] : memref<16384x128xf32, #tpu.memory_space<vmem>> -> memref<1024x128xf32, #tpu.memory_space<vmem>>
    %dma_start3A_92 = arith.constant 15360 : i32
    %dma_start3A_93 = arith.constant 0 : i32
    %dma_start3A_94 = tpu.memref_slice %arg1[%dma_start3A_92, %dma_start3A_93] : memref<16384x128xf32, #tpu.memory_space<hbm>> -> memref<1024x128xf32, #tpu.memory_space<hbm>>
    tpu.enqueue_dma source(%dma_start3A_94 : memref<1024x128xf32, #tpu.memory_space<hbm>>) target(%dma_start3A_91 : memref<1024x128xf32, #tpu.memory_space<vmem>>) target_semaphore(%arg11 : memref<!tpu.dma_semaphore, #tpu.memory_space<semaphore_mem>>)
    %dma_start3A_95 = arith.constant 0 : i32
    %dma_start3A_96 = arith.constant 0 : i32
    %dma_start3A_97 = arith.constant 0 : i32
    %dma_start3A_98 = tpu.memref_slice %arg4[%dma_start3A_95, %dma_start3A_96, %dma_start3A_97] : memref<4x5000x128xf32, #tpu.memory_space<vmem>> -> memref<1x5000x128xf32, #tpu.memory_space<vmem>>
    %dma_start3A_99 = tpu.memref_squeeze %dma_start3A_98 : memref<1x5000x128xf32, #tpu.memory_space<vmem>> -> memref<5000x128xf32, #tpu.memory_space<vmem>>
    %dma_start3A_100 = arith.constant 0 : i32
    %dma_start3A_101 = arith.constant 0 : i32
    %dma_start3A_102 = tpu.memref_slice %arg0[%dma_start3A_100, %dma_start3A_101] : memref<100000x128xf32, #tpu.memory_space<hbm>> -> memref<5000x128xf32, #tpu.memory_space<hbm>>
    tpu.enqueue_dma source(%dma_start3A_102 : memref<5000x128xf32, #tpu.memory_space<hbm>>) target(%dma_start3A_99 : memref<5000x128xf32, #tpu.memory_space<vmem>>) target_semaphore(%arg7 : memref<!tpu.dma_semaphore, #tpu.memory_space<semaphore_mem>>)
    %dma_start3A_103 = arith.constant 1 : i32
    %dma_start3A_104 = arith.constant 0 : i32
    %dma_start3A_105 = arith.constant 0 : i32
    %dma_start3A_106 = tpu.memref_slice %arg4[%dma_start3A_103, %dma_start3A_104, %dma_start3A_105] : memref<4x5000x128xf32, #tpu.memory_space<vmem>> -> memref<1x5000x128xf32, #tpu.memory_space<vmem>>
    %dma_start3A_107 = tpu.memref_squeeze %dma_start3A_106 : memref<1x5000x128xf32, #tpu.memory_space<vmem>> -> memref<5000x128xf32, #tpu.memory_space<vmem>>
    %dma_start3A_108 = arith.constant 5000 : i32
    %dma_start3A_109 = arith.constant 0 : i32
    %dma_start3A_110 = tpu.memref_slice %arg0[%dma_start3A_108, %dma_start3A_109] : memref<100000x128xf32, #tpu.memory_space<hbm>> -> memref<5000x128xf32, #tpu.memory_space<hbm>>
    tpu.enqueue_dma source(%dma_start3A_110 : memref<5000x128xf32, #tpu.memory_space<hbm>>) target(%dma_start3A_107 : memref<5000x128xf32, #tpu.memory_space<vmem>>) target_semaphore(%arg8 : memref<!tpu.dma_semaphore, #tpu.memory_space<semaphore_mem>>)
    %dma_start3A_111 = arith.constant 2 : i32
    %dma_start3A_112 = arith.constant 0 : i32
    %dma_start3A_113 = arith.constant 0 : i32
    %dma_start3A_114 = tpu.memref_slice %arg4[%dma_start3A_111, %dma_start3A_112, %dma_start3A_113] : memref<4x5000x128xf32, #tpu.memory_space<vmem>> -> memref<1x5000x128xf32, #tpu.memory_space<vmem>>
    %dma_start3A_115 = tpu.memref_squeeze %dma_start3A_114 : memref<1x5000x128xf32, #tpu.memory_space<vmem>> -> memref<5000x128xf32, #tpu.memory_space<vmem>>
    %dma_start3A_116 = arith.constant 10000 : i32
    %dma_start3A_117 = arith.constant 0 : i32
    %dma_start3A_118 = tpu.memref_slice %arg0[%dma_start3A_116, %dma_start3A_117] : memref<100000x128xf32, #tpu.memory_space<hbm>> -> memref<5000x128xf32, #tpu.memory_space<hbm>>
    tpu.enqueue_dma source(%dma_start3A_118 : memref<5000x128xf32, #tpu.memory_space<hbm>>) target(%dma_start3A_115 : memref<5000x128xf32, #tpu.memory_space<vmem>>) target_semaphore(%arg7 : memref<!tpu.dma_semaphore, #tpu.memory_space<semaphore_mem>>)
    %dma_wait3A = arith.constant 0 : i32
    %dma_wait3A_119 = arith.constant 0 : i32
    %dma_wait3A_120 = arith.constant 0 : i32
    %dma_wait3A_121 = tpu.memref_slice %arg4[%dma_wait3A, %dma_wait3A_119, %dma_wait3A_120] : memref<4x5000x128xf32, #tpu.memory_space<vmem>> -> memref<1x5000x128xf32, #tpu.memory_space<vmem>>
    %dma_wait3A_122 = tpu.memref_squeeze %dma_wait3A_121 : memref<1x5000x128xf32, #tpu.memory_space<vmem>> -> memref<5000x128xf32, #tpu.memory_space<vmem>>
    %dma_wait3A_123 = arith.constant 0 : i32
    %dma_wait3A_124 = arith.constant 0 : i32
    %dma_wait3A_125 = tpu.memref_slice %arg0[%dma_wait3A_123, %dma_wait3A_124] : memref<100000x128xf32, #tpu.memory_space<hbm>> -> memref<5000x128xf32, #tpu.memory_space<hbm>>
    tpu.wait_dma2 semaphore(%arg7 : memref<!tpu.dma_semaphore, #tpu.memory_space<semaphore_mem>>) src(%dma_wait3A_125 : memref<5000x128xf32, #tpu.memory_space<hbm>>) dst(%dma_wait3A_122 : memref<5000x128xf32, #tpu.memory_space<vmem>>)
    %dma_start3A_126 = arith.constant 0 : i32
    %dma_start3A_127 = arith.constant 0 : i32
    %dma_start3A_128 = arith.constant 0 : i32
    %dma_start3A_129 = tpu.memref_slice %arg2[%dma_start3A_127, %dma_start3A_128] : memref<100000x128xf32, #tpu.memory_space<hbm>> -> memref<5000x128xf32, #tpu.memory_space<hbm>>
    %dma_start3A_130 = arith.constant 0 : i32
    %dma_start3A_131 = arith.constant 0 : i32
    %dma_start3A_132 = tpu.memref_slice %arg4[%dma_start3A_126, %dma_start3A_130, %dma_start3A_131] : memref<4x5000x128xf32, #tpu.memory_space<vmem>> -> memref<1x5000x128xf32, #tpu.memory_space<vmem>>
    %dma_start3A_133 = tpu.memref_squeeze %dma_start3A_132 : memref<1x5000x128xf32, #tpu.memory_space<vmem>> -> memref<5000x128xf32, #tpu.memory_space<vmem>>
    tpu.enqueue_dma source(%dma_start3A_133 : memref<5000x128xf32, #tpu.memory_space<vmem>>) target(%dma_start3A_129 : memref<5000x128xf32, #tpu.memory_space<hbm>>) target_semaphore(%arg9 : memref<!tpu.dma_semaphore, #tpu.memory_space<semaphore_mem>>)
    %dma_wait3A_134 = arith.constant 0 : i32
    %dma_wait3A_135 = arith.constant 0 : i32
    %dma_wait3A_136 = tpu.memref_slice %arg5[%dma_wait3A_134, %dma_wait3A_135] : memref<16384x128xf32, #tpu.memory_space<vmem>> -> memref<1024x128xf32, #tpu.memory_space<vmem>>
    %dma_wait3A_137 = arith.constant 0 : i32
    %dma_wait3A_138 = arith.constant 0 : i32
    %dma_wait3A_139 = tpu.memref_slice %arg1[%dma_wait3A_137, %dma_wait3A_138] : memref<16384x128xf32, #tpu.memory_space<hbm>> -> memref<1024x128xf32, #tpu.memory_space<hbm>>
    tpu.wait_dma2 semaphore(%arg11 : memref<!tpu.dma_semaphore, #tpu.memory_space<semaphore_mem>>) src(%dma_wait3A_139 : memref<1024x128xf32, #tpu.memory_space<hbm>>) dst(%dma_wait3A_136 : memref<1024x128xf32, #tpu.memory_space<vmem>>)
    %dma_wait3A_140 = arith.constant 8192 : i32
    %dma_wait3A_141 = arith.constant 0 : i32
    %dma_wait3A_142 = tpu.memref_slice %arg5[%dma_wait3A_140, %dma_wait3A_141] : memref<16384x128xf32, #tpu.memory_space<vmem>> -> memref<1024x128xf32, #tpu.memory_space<vmem>>
    %dma_wait3A_143 = arith.constant 8192 : i32
    %dma_wait3A_144 = arith.constant 0 : i32
    %dma_wait3A_145 = tpu.memref_slice %arg1[%dma_wait3A_143, %dma_wait3A_144] : memref<16384x128xf32, #tpu.memory_space<hbm>> -> memref<1024x128xf32, #tpu.memory_space<hbm>>
    tpu.wait_dma2 semaphore(%arg11 : memref<!tpu.dma_semaphore, #tpu.memory_space<semaphore_mem>>) src(%dma_wait3A_145 : memref<1024x128xf32, #tpu.memory_space<hbm>>) dst(%dma_wait3A_142 : memref<1024x128xf32, #tpu.memory_space<vmem>>)
    %get3A = arith.constant 0 : index
    %get3A_146 = arith.constant 0 : index
    %get3A_147 = vector.load %arg5[%get3A, %get3A_146] : memref<16384x128xf32, #tpu.memory_space<vmem>>, vector<1024x128xf32>
    %get3A_148 = arith.constant 8192 : index
    %get3A_149 = arith.constant 0 : index
    %get3A_150 = vector.load %arg5[%get3A_148, %get3A_149] : memref<16384x128xf32, #tpu.memory_space<vmem>>, vector<1024x128xf32>
    %mul3A = arith.mulf %get3A_147, %get3A_147 : vector<1024x128xf32>
    %reduce_sum3A = arith.constant dense<0.000000e+00> : vector<1024xf32>
    %reduce_sum3A_151 = vector.multi_reduction <add>, %mul3A, %reduce_sum3A [1] : vector<1024x128xf32> to vector<1024xf32>
    %broadcast_in_dim3A = vector.shape_cast %reduce_sum3A_151 : vector<1024xf32> to vector<1024x1xf32>
    %sqrt3A = math.sqrt %broadcast_in_dim3A : vector<1024x1xf32>
    %mul3A_152 = arith.mulf %get3A_150, %get3A_150 : vector<1024x128xf32>
    %reduce_sum3A_153 = arith.constant dense<0.000000e+00> : vector<1024xf32>
    %reduce_sum3A_154 = vector.multi_reduction <add>, %mul3A_152, %reduce_sum3A_153 [1] : vector<1024x128xf32> to vector<1024xf32>
    %broadcast_in_dim3A_155 = vector.shape_cast %reduce_sum3A_154 : vector<1024xf32> to vector<1024x1xf32>
    %sqrt3A_156 = math.sqrt %broadcast_in_dim3A_155 : vector<1024x1xf32>
    %max3A = arith.constant 9.99999996E-13 : f32
    %max3A_157 = vector.broadcast %max3A : f32 to vector<1024x1xf32>
    %max3A_158 = arith.maximumf %sqrt3A, %max3A_157 : vector<1024x1xf32>
    %div3A = vector.broadcast %max3A_158 : vector<1024x1xf32> to vector<1024x128xf32>
    %div3A_159 = arith.divf %get3A_147, %div3A : vector<1024x128xf32>
    %max3A_160 = arith.constant 9.99999996E-13 : f32
    %max3A_161 = vector.broadcast %max3A_160 : f32 to vector<1024x1xf32>
    %max3A_162 = arith.maximumf %sqrt3A_156, %max3A_161 : vector<1024x1xf32>
    %div3A_163 = vector.broadcast %max3A_162 : vector<1024x1xf32> to vector<1024x128xf32>
    %div3A_164 = arith.divf %get3A_150, %div3A_163 : vector<1024x128xf32>
    %add3A = arith.addf %div3A_159, %div3A_164 : vector<1024x128xf32>
    %mul3A_165 = arith.constant 5.000000e-01 : f32
    %mul3A_166 = vector.broadcast %mul3A_165 : f32 to vector<1024x128xf32>
    %mul3A_167 = arith.mulf %add3A, %mul3A_166 : vector<1024x128xf32>
    %mul3A_168 = arith.mulf %mul3A_167, %mul3A_167 : vector<1024x128xf32>
    %reduce_sum3A_169 = arith.constant dense<0.000000e+00> : vector<1024xf32>
    %reduce_sum3A_170 = vector.multi_reduction <add>, %mul3A_168, %reduce_sum3A_169 [1] : vector<1024x128xf32> to vector<1024xf32>
    %broadcast_in_dim3A_171 = vector.shape_cast %reduce_sum3A_170 : vector<1024xf32> to vector<1024x1xf32>
    %sqrt3A_172 = math.sqrt %broadcast_in_dim3A_171 : vector<1024x1xf32>
    %max3A_173 = arith.constant 9.99999996E-13 : f32
    %max3A_174 = vector.broadcast %max3A_173 : f32 to vector<1024x1xf32>
    %max3A_175 = arith.maximumf %sqrt3A_172, %max3A_174 : vector<1024x1xf32>
    %div3A_176 = vector.broadcast %max3A_175 : vector<1024x1xf32> to vector<1024x128xf32>
    %div3A_177 = arith.divf %mul3A_167, %div3A_176 : vector<1024x128xf32>
    %swap3A = arith.constant 0 : index
    %swap3A_178 = arith.constant 0 : index
    %swap3A_179 = vector.load %arg6[%swap3A, %swap3A_178] : memref<8192x128xf32, #tpu.memory_space<vmem>>, vector<1024x128xf32>
    tpu.vector_store %arg6[%swap3A, %swap3A_178], %div3A_177 {strides = array<i32>} : memref<8192x128xf32, #tpu.memory_space<vmem>>, vector<1024x128xf32>,
    %dma_start3A_180 = arith.constant 0 : i32
    %dma_start3A_181 = arith.constant 0 : i32
    %dma_start3A_182 = tpu.memref_slice %arg3[%dma_start3A_180, %dma_start3A_181] : memref<8192x128xf32, #tpu.memory_space<hbm>> -> memref<1024x128xf32, #tpu.memory_space<hbm>>
    %dma_start3A_183 = arith.constant 0 : i32
    %dma_start3A_184 = arith.constant 0 : i32
    %dma_start3A_185 = tpu.memref_slice %arg6[%dma_start3A_183, %dma_start3A_184] : memref<8192x128xf32, #tpu.memory_space<vmem>> -> memref<1024x128xf32, #tpu.memory_space<vmem>>
    tpu.enqueue_dma source(%dma_start3A_185 : memref<1024x128xf32, #tpu.memory_space<vmem>>) target(%dma_start3A_182 : memref<1024x128xf32, #tpu.memory_space<hbm>>) target_semaphore(%arg12 : memref<!tpu.dma_semaphore, #tpu.memory_space<semaphore_mem>>)
    %dma_start3A_186 = arith.constant 3 : i32
    %dma_start3A_187 = arith.constant 0 : i32
    %dma_start3A_188 = arith.constant 0 : i32
    %dma_start3A_189 = tpu.memref_slice %arg4[%dma_start3A_186, %dma_start3A_187, %dma_start3A_188] : memref<4x5000x128xf32, #tpu.memory_space<vmem>> -> memref<1x5000x128xf32, #tpu.memory_space<vmem>>
    %dma_start3A_190 = tpu.memref_squeeze %dma_start3A_189 : memref<1x5000x128xf32, #tpu.memory_space<vmem>> -> memref<5000x128xf32, #tpu.memory_space<vmem>>
    %dma_start3A_191 = arith.constant 15000 : i32
    %dma_start3A_192 = arith.constant 0 : i32
    %dma_start3A_193 = tpu.memref_slice %arg0[%dma_start3A_191, %dma_start3A_192] : memref<100000x128xf32, #tpu.memory_space<hbm>> -> memref<5000x128xf32, #tpu.memory_space<hbm>>
    tpu.enqueue_dma source(%dma_start3A_193 : memref<5000x128xf32, #tpu.memory_space<hbm>>) target(%dma_start3A_190 : memref<5000x128xf32, #tpu.memory_space<vmem>>) target_semaphore(%arg8 : memref<!tpu.dma_semaphore, #tpu.memory_space<semaphore_mem>>)
    %dma_wait3A_194 = arith.constant 1 : i32
    %dma_wait3A_195 = arith.constant 0 : i32
    %dma_wait3A_196 = arith.constant 0 : i32
    %dma_wait3A_197 = tpu.memref_slice %arg4[%dma_wait3A_194, %dma_wait3A_195, %dma_wait3A_196] : memref<4x5000x128xf32, #tpu.memory_space<vmem>> -> memref<1x5000x128xf32, #tpu.memory_space<vmem>>
    %dma_wait3A_198 = tpu.memref_squeeze %dma_wait3A_197 : memref<1x5000x128xf32, #tpu.memory_space<vmem>> -> memref<5000x128xf32, #tpu.memory_space<vmem>>
    %dma_wait3A_199 = arith.constant 5000 : i32
    %dma_wait3A_200 = arith.constant 0 : i32
    %dma_wait3A_201 = tpu.memref_slice %arg0[%dma_wait3A_199, %dma_wait3A_200] : memref<100000x128xf32, #tpu.memory_space<hbm>> -> memref<5000x128xf32, #tpu.memory_space<hbm>>
    tpu.wait_dma2 semaphore(%arg8 : memref<!tpu.dma_semaphore, #tpu.memory_space<semaphore_mem>>) src(%dma_wait3A_201 : memref<5000x128xf32, #tpu.memory_space<hbm>>) dst(%dma_wait3A_198 : memref<5000x128xf32, #tpu.memory_space<vmem>>)
    %dma_start3A_202 = arith.constant 1 : i32
    %dma_start3A_203 = arith.constant 5000 : i32
    %dma_start3A_204 = arith.constant 0 : i32
    %dma_start3A_205 = tpu.memref_slice %arg2[%dma_start3A_203, %dma_start3A_204] : memref<100000x128xf32, #tpu.memory_space<hbm>> -> memref<5000x128xf32, #tpu.memory_space<hbm>>
    %dma_start3A_206 = arith.constant 0 : i32
    %dma_start3A_207 = arith.constant 0 : i32
    %dma_start3A_208 = tpu.memref_slice %arg4[%dma_start3A_202, %dma_start3A_206, %dma_start3A_207] : memref<4x5000x128xf32, #tpu.memory_space<vmem>> -> memref<1x5000x128xf32, #tpu.memory_space<vmem>>
    %dma_start3A_209 = tpu.memref_squeeze %dma_start3A_208 : memref<1x5000x128xf32, #tpu.memory_space<vmem>> -> memref<5000x128xf32, #tpu.memory_space<vmem>>
    tpu.enqueue_dma source(%dma_start3A_209 : memref<5000x128xf32, #tpu.memory_space<vmem>>) target(%dma_start3A_205 : memref<5000x128xf32, #tpu.memory_space<hbm>>) target_semaphore(%arg10 : memref<!tpu.dma_semaphore, #tpu.memory_space<semaphore_mem>>)
    %dma_wait3A_210 = arith.constant 1024 : i32
    %dma_wait3A_211 = arith.constant 0 : i32
    %dma_wait3A_212 = tpu.memref_slice %arg5[%dma_wait3A_210, %dma_wait3A_211] : memref<16384x128xf32, #tpu.memory_space<vmem>> -> memref<1024x128xf32, #tpu.memory_space<vmem>>
    %dma_wait3A_213 = arith.constant 1024 : i32
    %dma_wait3A_214 = arith.constant 0 : i32
    %dma_wait3A_215 = tpu.memref_slice %arg1[%dma_wait3A_213, %dma_wait3A_214] : memref<16384x128xf32, #tpu.memory_space<hbm>> -> memref<1024x128xf32, #tpu.memory_space<hbm>>
    tpu.wait_dma2 semaphore(%arg11 : memref<!tpu.dma_semaphore, #tpu.memory_space<semaphore_mem>>) src(%dma_wait3A_215 : memref<1024x128xf32, #tpu.memory_space<hbm>>) dst(%dma_wait3A_212 : memref<1024x128xf32, #tpu.memory_space<vmem>>)
    %dma_wait3A_216 = arith.constant 9216 : i32
    %dma_wait3A_217 = arith.constant 0 : i32
    %dma_wait3A_218 = tpu.memref_slice %arg5[%dma_wait3A_216, %dma_wait3A_217] : memref<16384x128xf32, #tpu.memory_space<vmem>> -> memref<1024x128xf32, #tpu.memory_space<vmem>>
    %dma_wait3A_219 = arith.constant 9216 : i32
    %dma_wait3A_220 = arith.constant 0 : i32
    %dma_wait3A_221 = tpu.memref_slice %arg1[%dma_wait3A_219, %dma_wait3A_220] : memref<16384x128xf32, #tpu.memory_space<hbm>> -> memref<1024x128xf32, #tpu.memory_space<hbm>>
    tpu.wait_dma2 semaphore(%arg11 : memref<!tpu.dma_semaphore, #tpu.memory_space<semaphore_mem>>) src(%dma_wait3A_221 : memref<1024x128xf32, #tpu.memory_space<hbm>>) dst(%dma_wait3A_218 : memref<1024x128xf32, #tpu.memory_space<vmem>>)
    %get3A_222 = arith.constant 1024 : index
    %get3A_223 = arith.constant 0 : index
    %get3A_224 = vector.load %arg5[%get3A_222, %get3A_223] : memref<16384x128xf32, #tpu.memory_space<vmem>>, vector<1024x128xf32>
    %get3A_225 = arith.constant 9216 : index
    %get3A_226 = arith.constant 0 : index
    %get3A_227 = vector.load %arg5[%get3A_225, %get3A_226] : memref<16384x128xf32, #tpu.memory_space<vmem>>, vector<1024x128xf32>
    %mul3A_228 = arith.mulf %get3A_224, %get3A_224 : vector<1024x128xf32>
    %reduce_sum3A_229 = arith.constant dense<0.000000e+00> : vector<1024xf32>
    %reduce_sum3A_230 = vector.multi_reduction <add>, %mul3A_228, %reduce_sum3A_229 [1] : vector<1024x128xf32> to vector<1024xf32>
    %broadcast_in_dim3A_231 = vector.shape_cast %reduce_sum3A_230 : vector<1024xf32> to vector<1024x1xf32>
    %sqrt3A_232 = math.sqrt %broadcast_in_dim3A_231 : vector<1024x1xf32>
    %mul3A_233 = arith.mulf %get3A_227, %get3A_227 : vector<1024x128xf32>
    %reduce_sum3A_234 = arith.constant dense<0.000000e+00> : vector<1024xf32>
    %reduce_sum3A_235 = vector.multi_reduction <add>, %mul3A_233, %reduce_sum3A_234 [1] : vector<1024x128xf32> to vector<1024xf32>
    %broadcast_in_dim3A_236 = vector.shape_cast %reduce_sum3A_235 : vector<1024xf32> to vector<1024x1xf32>
    %sqrt3A_237 = math.sqrt %broadcast_in_dim3A_236 : vector<1024x1xf32>
    %max3A_238 = arith.constant 9.99999996E-13 : f32
    %max3A_239 = vector.broadcast %max3A_238 : f32 to vector<1024x1xf32>
    %max3A_240 = arith.maximumf %sqrt3A_232, %max3A_239 : vector<1024x1xf32>
    %div3A_241 = vector.broadcast %max3A_240 : vector<1024x1xf32> to vector<1024x128xf32>
    %div3A_242 = arith.divf %get3A_224, %div3A_241 : vector<1024x128xf32>
    %max3A_243 = arith.constant 9.99999996E-13 : f32
    %max3A_244 = vector.broadcast %max3A_243 : f32 to vector<1024x1xf32>
    %max3A_245 = arith.maximumf %sqrt3A_237, %max3A_244 : vector<1024x1xf32>
    %div3A_246 = vector.broadcast %max3A_245 : vector<1024x1xf32> to vector<1024x128xf32>
    %div3A_247 = arith.divf %get3A_227, %div3A_246 : vector<1024x128xf32>
    %add3A_248 = arith.addf %div3A_242, %div3A_247 : vector<1024x128xf32>
    %mul3A_249 = arith.constant 5.000000e-01 : f32
    %mul3A_250 = vector.broadcast %mul3A_249 : f32 to vector<1024x128xf32>
    %mul3A_251 = arith.mulf %add3A_248, %mul3A_250 : vector<1024x128xf32>
    %mul3A_252 = arith.mulf %mul3A_251, %mul3A_251 : vector<1024x128xf32>
    %reduce_sum3A_253 = arith.constant dense<0.000000e+00> : vector<1024xf32>
    %reduce_sum3A_254 = vector.multi_reduction <add>, %mul3A_252, %reduce_sum3A_253 [1] : vector<1024x128xf32> to vector<1024xf32>
    %broadcast_in_dim3A_255 = vector.shape_cast %reduce_sum3A_254 : vector<1024xf32> to vector<1024x1xf32>
    %sqrt3A_256 = math.sqrt %broadcast_in_dim3A_255 : vector<1024x1xf32>
    %max3A_257 = arith.constant 9.99999996E-13 : f32
    %max3A_258 = vector.broadcast %max3A_257 : f32 to vector<1024x1xf32>
    %max3A_259 = arith.maximumf %sqrt3A_256, %max3A_258 : vector<1024x1xf32>
    %div3A_260 = vector.broadcast %max3A_259 : vector<1024x1xf32> to vector<1024x128xf32>
    %div3A_261 = arith.divf %mul3A_251, %div3A_260 : vector<1024x128xf32>
    %swap3A_262 = arith.constant 1024 : index
    %swap3A_263 = arith.constant 0 : index
    %swap3A_264 = vector.load %arg6[%swap3A_262, %swap3A_263] : memref<8192x128xf32, #tpu.memory_space<vmem>>, vector<1024x128xf32>
    tpu.vector_store %arg6[%swap3A_262, %swap3A_263], %div3A_261 {strides = array<i32>} : memref<8192x128xf32, #tpu.memory_space<vmem>>, vector<1024x128xf32>,
    %dma_start3A_265 = arith.constant 1024 : i32
    %dma_start3A_266 = arith.constant 0 : i32
    %dma_start3A_267 = tpu.memref_slice %arg3[%dma_start3A_265, %dma_start3A_266] : memref<8192x128xf32, #tpu.memory_space<hbm>> -> memref<1024x128xf32, #tpu.memory_space<hbm>>
    %dma_start3A_268 = arith.constant 1024 : i32
    %dma_start3A_269 = arith.constant 0 : i32
    %dma_start3A_270 = tpu.memref_slice %arg6[%dma_start3A_268, %dma_start3A_269] : memref<8192x128xf32, #tpu.memory_space<vmem>> -> memref<1024x128xf32, #tpu.memory_space<vmem>>
    tpu.enqueue_dma source(%dma_start3A_270 : memref<1024x128xf32, #tpu.memory_space<vmem>>) target(%dma_start3A_267 : memref<1024x128xf32, #tpu.memory_space<hbm>>) target_semaphore(%arg12 : memref<!tpu.dma_semaphore, #tpu.memory_space<semaphore_mem>>)
    %dma_wait3A_271 = arith.constant 0 : i32
    %dma_wait3A_272 = arith.constant 0 : i32
    %dma_wait3A_273 = arith.constant 0 : i32
    %dma_wait3A_274 = tpu.memref_slice %arg2[%dma_wait3A_272, %dma_wait3A_273] : memref<100000x128xf32, #tpu.memory_space<hbm>> -> memref<5000x128xf32, #tpu.memory_space<hbm>>
    %dma_wait3A_275 = arith.constant 0 : i32
    %dma_wait3A_276 = arith.constant 0 : i32
    %dma_wait3A_277 = tpu.memref_slice %arg4[%dma_wait3A_271, %dma_wait3A_275, %dma_wait3A_276] : memref<4x5000x128xf32, #tpu.memory_space<vmem>> -> memref<1x5000x128xf32, #tpu.memory_space<vmem>>
    %dma_wait3A_278 = tpu.memref_squeeze %dma_wait3A_277 : memref<1x5000x128xf32, #tpu.memory_space<vmem>> -> memref<5000x128xf32, #tpu.memory_space<vmem>>
    tpu.wait_dma2 semaphore(%arg9 : memref<!tpu.dma_semaphore, #tpu.memory_space<semaphore_mem>>) src(%dma_wait3A_278 : memref<5000x128xf32, #tpu.memory_space<vmem>>) dst(%dma_wait3A_274 : memref<5000x128xf32, #tpu.memory_space<hbm>>)
    %dma_start3A_279 = arith.constant 0 : i32
    %dma_start3A_280 = arith.constant 0 : i32
    %dma_start3A_281 = arith.constant 0 : i32
    %dma_start3A_282 = tpu.memref_slice %arg4[%dma_start3A_279, %dma_start3A_280, %dma_start3A_281] : memref<4x5000x128xf32, #tpu.memory_space<vmem>> -> memref<1x5000x128xf32, #tpu.memory_space<vmem>>
    %dma_start3A_283 = tpu.memref_squeeze %dma_start3A_282 : memref<1x5000x128xf32, #tpu.memory_space<vmem>> -> memref<5000x128xf32, #tpu.memory_space<vmem>>
    %dma_start3A_284 = arith.constant 20000 : i32
    %dma_start3A_285 = arith.constant 0 : i32
    %dma_start3A_286 = tpu.memref_slice %arg0[%dma_start3A_284, %dma_start3A_285] : memref<100000x128xf32, #tpu.memory_space<hbm>> -> memref<5000x128xf32, #tpu.memory_space<hbm>>
    tpu.enqueue_dma source(%dma_start3A_286 : memref<5000x128xf32, #tpu.memory_space<hbm>>) target(%dma_start3A_283 : memref<5000x128xf32, #tpu.memory_space<vmem>>) target_semaphore(%arg7 : memref<!tpu.dma_semaphore, #tpu.memory_space<semaphore_mem>>)
    %dma_wait3A_287 = arith.constant 2 : i32
    %dma_wait3A_288 = arith.constant 0 : i32
    %dma_wait3A_289 = arith.constant 0 : i32
    %dma_wait3A_290 = tpu.memref_slice %arg4[%dma_wait3A_287, %dma_wait3A_288, %dma_wait3A_289] : memref<4x5000x128xf32, #tpu.memory_space<vmem>> -> memref<1x5000x128xf32, #tpu.memory_space<vmem>>
    %dma_wait3A_291 = tpu.memref_squeeze %dma_wait3A_290 : memref<1x5000x128xf32, #tpu.memory_space<vmem>> -> memref<5000x128xf32, #tpu.memory_space<vmem>>
    %dma_wait3A_292 = arith.constant 10000 : i32
    %dma_wait3A_293 = arith.constant 0 : i32
    %dma_wait3A_294 = tpu.memref_slice %arg0[%dma_wait3A_292, %dma_wait3A_293] : memref<100000x128xf32, #tpu.memory_space<hbm>> -> memref<5000x128xf32, #tpu.memory_space<hbm>>
    tpu.wait_dma2 semaphore(%arg7 : memref<!tpu.dma_semaphore, #tpu.memory_space<semaphore_mem>>) src(%dma_wait3A_294 : memref<5000x128xf32, #tpu.memory_space<hbm>>) dst(%dma_wait3A_291 : memref<5000x128xf32, #tpu.memory_space<vmem>>)
    %dma_start3A_295 = arith.constant 2 : i32
    %dma_start3A_296 = arith.constant 10000 : i32
    %dma_start3A_297 = arith.constant 0 : i32
    %dma_start3A_298 = tpu.memref_slice %arg2[%dma_start3A_296, %dma_start3A_297] : memref<100000x128xf32, #tpu.memory_space<hbm>> -> memref<5000x128xf32, #tpu.memory_space<hbm>>
    %dma_start3A_299 = arith.constant 0 : i32
    %dma_start3A_300 = arith.constant 0 : i32
    %dma_start3A_301 = tpu.memref_slice %arg4[%dma_start3A_295, %dma_start3A_299, %dma_start3A_300] : memref<4x5000x128xf32, #tpu.memory_space<vmem>> -> memref<1x5000x128xf32, #tpu.memory_space<vmem>>
    %dma_start3A_302 = tpu.memref_squeeze %dma_start3A_301 : memref<1x5000x128xf32, #tpu.memory_space<vmem>> -> memref<5000x128xf32, #tpu.memory_space<vmem>>
    tpu.enqueue_dma source(%dma_start3A_302 : memref<5000x128xf32, #tpu.memory_space<vmem>>) target(%dma_start3A_298 : memref<5000x128xf32, #tpu.memory_space<hbm>>) target_semaphore(%arg9 : memref<!tpu.dma_semaphore, #tpu.memory_space<semaphore_mem>>)
    %dma_wait3A_303 = arith.constant 2048 : i32
    %dma_wait3A_304 = arith.constant 0 : i32
    %dma_wait3A_305 = tpu.memref_slice %arg5[%dma_wait3A_303, %dma_wait3A_304] : memref<16384x128xf32, #tpu.memory_space<vmem>> -> memref<1024x128xf32, #tpu.memory_space<vmem>>
    %dma_wait3A_306 = arith.constant 2048 : i32
    %dma_wait3A_307 = arith.constant 0 : i32
    %dma_wait3A_308 = tpu.memref_slice %arg1[%dma_wait3A_306, %dma_wait3A_307] : memref<16384x128xf32, #tpu.memory_space<hbm>> -> memref<1024x128xf32, #tpu.memory_space<hbm>>
    tpu.wait_dma2 semaphore(%arg11 : memref<!tpu.dma_semaphore, #tpu.memory_space<semaphore_mem>>) src(%dma_wait3A_308 : memref<1024x128xf32, #tpu.memory_space<hbm>>) dst(%dma_wait3A_305 : memref<1024x128xf32, #tpu.memory_space<vmem>>)
    %dma_wait3A_309 = arith.constant 10240 : i32
    %dma_wait3A_310 = arith.constant 0 : i32
    %dma_wait3A_311 = tpu.memref_slice %arg5[%dma_wait3A_309, %dma_wait3A_310] : memref<16384x128xf32, #tpu.memory_space<vmem>> -> memref<1024x128xf32, #tpu.memory_space<vmem>>
    %dma_wait3A_312 = arith.constant 10240 : i32
    %dma_wait3A_313 = arith.constant 0 : i32
    %dma_wait3A_314 = tpu.memref_slice %arg1[%dma_wait3A_312, %dma_wait3A_313] : memref<16384x128xf32, #tpu.memory_space<hbm>> -> memref<1024x128xf32, #tpu.memory_space<hbm>>
    tpu.wait_dma2 semaphore(%arg11 : memref<!tpu.dma_semaphore, #tpu.memory_space<semaphore_mem>>) src(%dma_wait3A_314 : memref<1024x128xf32, #tpu.memory_space<hbm>>) dst(%dma_wait3A_311 : memref<1024x128xf32, #tpu.memory_space<vmem>>)
    %get3A_315 = arith.constant 2048 : index
    %get3A_316 = arith.constant 0 : index
    %get3A_317 = vector.load %arg5[%get3A_315, %get3A_316] : memref<16384x128xf32, #tpu.memory_space<vmem>>, vector<1024x128xf32>
    %get3A_318 = arith.constant 10240 : index
    %get3A_319 = arith.constant 0 : index
    %get3A_320 = vector.load %arg5[%get3A_318, %get3A_319] : memref<16384x128xf32, #tpu.memory_space<vmem>>, vector<1024x128xf32>
    %mul3A_321 = arith.mulf %get3A_317, %get3A_317 : vector<1024x128xf32>
    %reduce_sum3A_322 = arith.constant dense<0.000000e+00> : vector<1024xf32>
    %reduce_sum3A_323 = vector.multi_reduction <add>, %mul3A_321, %reduce_sum3A_322 [1] : vector<1024x128xf32> to vector<1024xf32>
    %broadcast_in_dim3A_324 = vector.shape_cast %reduce_sum3A_323 : vector<1024xf32> to vector<1024x1xf32>
    %sqrt3A_325 = math.sqrt %broadcast_in_dim3A_324 : vector<1024x1xf32>
    %mul3A_326 = arith.mulf %get3A_320, %get3A_320 : vector<1024x128xf32>
    %reduce_sum3A_327 = arith.constant dense<0.000000e+00> : vector<1024xf32>
    %reduce_sum3A_328 = vector.multi_reduction <add>, %mul3A_326, %reduce_sum3A_327 [1] : vector<1024x128xf32> to vector<1024xf32>
    %broadcast_in_dim3A_329 = vector.shape_cast %reduce_sum3A_328 : vector<1024xf32> to vector<1024x1xf32>
    %sqrt3A_330 = math.sqrt %broadcast_in_dim3A_329 : vector<1024x1xf32>
    %max3A_331 = arith.constant 9.99999996E-13 : f32
    %max3A_332 = vector.broadcast %max3A_331 : f32 to vector<1024x1xf32>
    %max3A_333 = arith.maximumf %sqrt3A_325, %max3A_332 : vector<1024x1xf32>
    %div3A_334 = vector.broadcast %max3A_333 : vector<1024x1xf32> to vector<1024x128xf32>
    %div3A_335 = arith.divf %get3A_317, %div3A_334 : vector<1024x128xf32>
    %max3A_336 = arith.constant 9.99999996E-13 : f32
    %max3A_337 = vector.broadcast %max3A_336 : f32 to vector<1024x1xf32>
    %max3A_338 = arith.maximumf %sqrt3A_330, %max3A_337 : vector<1024x1xf32>
    %div3A_339 = vector.broadcast %max3A_338 : vector<1024x1xf32> to vector<1024x128xf32>
    %div3A_340 = arith.divf %get3A_320, %div3A_339 : vector<1024x128xf32>
    %add3A_341 = arith.addf %div3A_335, %div3A_340 : vector<1024x128xf32>
    %mul3A_342 = arith.constant 5.000000e-01 : f32
    %mul3A_343 = vector.broadcast %mul3A_342 : f32 to vector<1024x128xf32>
    %mul3A_344 = arith.mulf %add3A_341, %mul3A_343 : vector<1024x128xf32>
    %mul3A_345 = arith.mulf %mul3A_344, %mul3A_344 : vector<1024x128xf32>
    %reduce_sum3A_346 = arith.constant dense<0.000000e+00> : vector<1024xf32>
    %reduce_sum3A_347 = vector.multi_reduction <add>, %mul3A_345, %reduce_sum3A_346 [1] : vector<1024x128xf32> to vector<1024xf32>
    %broadcast_in_dim3A_348 = vector.shape_cast %reduce_sum3A_347 : vector<1024xf32> to vector<1024x1xf32>
    %sqrt3A_349 = math.sqrt %broadcast_in_dim3A_348 : vector<1024x1xf32>
    %max3A_350 = arith.constant 9.99999996E-13 : f32
    %max3A_351 = vector.broadcast %max3A_350 : f32 to vector<1024x1xf32>
    %max3A_352 = arith.maximumf %sqrt3A_349, %max3A_351 : vector<1024x1xf32>
    %div3A_353 = vector.broadcast %max3A_352 : vector<1024x1xf32> to vector<1024x128xf32>
    %div3A_354 = arith.divf %mul3A_344, %div3A_353 : vector<1024x128xf32>
    %swap3A_355 = arith.constant 2048 : index
    %swap3A_356 = arith.constant 0 : index
    %swap3A_357 = vector.load %arg6[%swap3A_355, %swap3A_356] : memref<8192x128xf32, #tpu.memory_space<vmem>>, vector<1024x128xf32>
    tpu.vector_store %arg6[%swap3A_355, %swap3A_356], %div3A_354 {strides = array<i32>} : memref<8192x128xf32, #tpu.memory_space<vmem>>, vector<1024x128xf32>,
    %dma_start3A_358 = arith.constant 2048 : i32
    %dma_start3A_359 = arith.constant 0 : i32
    %dma_start3A_360 = tpu.memref_slice %arg3[%dma_start3A_358, %dma_start3A_359] : memref<8192x128xf32, #tpu.memory_space<hbm>> -> memref<1024x128xf32, #tpu.memory_space<hbm>>
    %dma_start3A_361 = arith.constant 2048 : i32
    %dma_start3A_362 = arith.constant 0 : i32
    %dma_start3A_363 = tpu.memref_slice %arg6[%dma_start3A_361, %dma_start3A_362] : memref<8192x128xf32, #tpu.memory_space<vmem>> -> memref<1024x128xf32, #tpu.memory_space<vmem>>
    tpu.enqueue_dma source(%dma_start3A_363 : memref<1024x128xf32, #tpu.memory_space<vmem>>) target(%dma_start3A_360 : memref<1024x128xf32, #tpu.memory_space<hbm>>) target_semaphore(%arg12 : memref<!tpu.dma_semaphore, #tpu.memory_space<semaphore_mem>>)
    %dma_wait3A_364 = arith.constant 1 : i32
    %dma_wait3A_365 = arith.constant 5000 : i32
    %dma_wait3A_366 = arith.constant 0 : i32
    %dma_wait3A_367 = tpu.memref_slice %arg2[%dma_wait3A_365, %dma_wait3A_366] : memref<100000x128xf32, #tpu.memory_space<hbm>> -> memref<5000x128xf32, #tpu.memory_space<hbm>>
    %dma_wait3A_368 = arith.constant 0 : i32
    %dma_wait3A_369 = arith.constant 0 : i32
    %dma_wait3A_370 = tpu.memref_slice %arg4[%dma_wait3A_364, %dma_wait3A_368, %dma_wait3A_369] : memref<4x5000x128xf32, #tpu.memory_space<vmem>> -> memref<1x5000x128xf32, #tpu.memory_space<vmem>>
    %dma_wait3A_371 = tpu.memref_squeeze %dma_wait3A_370 : memref<1x5000x128xf32, #tpu.memory_space<vmem>> -> memref<5000x128xf32, #tpu.memory_space<vmem>>
    tpu.wait_dma2 semaphore(%arg10 : memref<!tpu.dma_semaphore, #tpu.memory_space<semaphore_mem>>) src(%dma_wait3A_371 : memref<5000x128xf32, #tpu.memory_space<vmem>>) dst(%dma_wait3A_367 : memref<5000x128xf32, #tpu.memory_space<hbm>>)
    %dma_start3A_372 = arith.constant 1 : i32
    %dma_start3A_373 = arith.constant 0 : i32
    %dma_start3A_374 = arith.constant 0 : i32
    %dma_start3A_375 = tpu.memref_slice %arg4[%dma_start3A_372, %dma_start3A_373, %dma_start3A_374] : memref<4x5000x128xf32, #tpu.memory_space<vmem>> -> memref<1x5000x128xf32, #tpu.memory_space<vmem>>
    %dma_start3A_376 = tpu.memref_squeeze %dma_start3A_375 : memref<1x5000x128xf32, #tpu.memory_space<vmem>> -> memref<5000x128xf32, #tpu.memory_space<vmem>>
    %dma_start3A_377 = arith.constant 25000 : i32
    %dma_start3A_378 = arith.constant 0 : i32
    %dma_start3A_379 = tpu.memref_slice %arg0[%dma_start3A_377, %dma_start3A_378] : memref<100000x128xf32, #tpu.memory_space<hbm>> -> memref<5000x128xf32, #tpu.memory_space<hbm>>
    tpu.enqueue_dma source(%dma_start3A_379 : memref<5000x128xf32, #tpu.memory_space<hbm>>) target(%dma_start3A_376 : memref<5000x128xf32, #tpu.memory_space<vmem>>) target_semaphore(%arg8 : memref<!tpu.dma_semaphore, #tpu.memory_space<semaphore_mem>>)
    %dma_wait3A_380 = arith.constant 3 : i32
    %dma_wait3A_381 = arith.constant 0 : i32
    %dma_wait3A_382 = arith.constant 0 : i32
    %dma_wait3A_383 = tpu.memref_slice %arg4[%dma_wait3A_380, %dma_wait3A_381, %dma_wait3A_382] : memref<4x5000x128xf32, #tpu.memory_space<vmem>> -> memref<1x5000x128xf32, #tpu.memory_space<vmem>>
    %dma_wait3A_384 = tpu.memref_squeeze %dma_wait3A_383 : memref<1x5000x128xf32, #tpu.memory_space<vmem>> -> memref<5000x128xf32, #tpu.memory_space<vmem>>
    %dma_wait3A_385 = arith.constant 15000 : i32
    %dma_wait3A_386 = arith.constant 0 : i32
    %dma_wait3A_387 = tpu.memref_slice %arg0[%dma_wait3A_385, %dma_wait3A_386] : memref<100000x128xf32, #tpu.memory_space<hbm>> -> memref<5000x128xf32, #tpu.memory_space<hbm>>
    tpu.wait_dma2 semaphore(%arg8 : memref<!tpu.dma_semaphore, #tpu.memory_space<semaphore_mem>>) src(%dma_wait3A_387 : memref<5000x128xf32, #tpu.memory_space<hbm>>) dst(%dma_wait3A_384 : memref<5000x128xf32, #tpu.memory_space<vmem>>)
    %dma_start3A_388 = arith.constant 3 : i32
    %dma_start3A_389 = arith.constant 15000 : i32
    %dma_start3A_390 = arith.constant 0 : i32
    %dma_start3A_391 = tpu.memref_slice %arg2[%dma_start3A_389, %dma_start3A_390] : memref<100000x128xf32, #tpu.memory_space<hbm>> -> memref<5000x128xf32, #tpu.memory_space<hbm>>
    %dma_start3A_392 = arith.constant 0 : i32
    %dma_start3A_393 = arith.constant 0 : i32
    %dma_start3A_394 = tpu.memref_slice %arg4[%dma_start3A_388, %dma_start3A_392, %dma_start3A_393] : memref<4x5000x128xf32, #tpu.memory_space<vmem>> -> memref<1x5000x128xf32, #tpu.memory_space<vmem>>
    %dma_start3A_395 = tpu.memref_squeeze %dma_start3A_394 : memref<1x5000x128xf32, #tpu.memory_space<vmem>> -> memref<5000x128xf32, #tpu.memory_space<vmem>>
    tpu.enqueue_dma source(%dma_start3A_395 : memref<5000x128xf32, #tpu.memory_space<vmem>>) target(%dma_start3A_391 : memref<5000x128xf32, #tpu.memory_space<hbm>>) target_semaphore(%arg10 : memref<!tpu.dma_semaphore, #tpu.memory_space<semaphore_mem>>)
    %dma_wait3A_396 = arith.constant 3072 : i32
    %dma_wait3A_397 = arith.constant 0 : i32
    %dma_wait3A_398 = tpu.memref_slice %arg5[%dma_wait3A_396, %dma_wait3A_397] : memref<16384x128xf32, #tpu.memory_space<vmem>> -> memref<1024x128xf32, #tpu.memory_space<vmem>>
    %dma_wait3A_399 = arith.constant 3072 : i32
    %dma_wait3A_400 = arith.constant 0 : i32
    %dma_wait3A_401 = tpu.memref_slice %arg1[%dma_wait3A_399, %dma_wait3A_400] : memref<16384x128xf32, #tpu.memory_space<hbm>> -> memref<1024x128xf32, #tpu.memory_space<hbm>>
    tpu.wait_dma2 semaphore(%arg11 : memref<!tpu.dma_semaphore, #tpu.memory_space<semaphore_mem>>) src(%dma_wait3A_401 : memref<1024x128xf32, #tpu.memory_space<hbm>>) dst(%dma_wait3A_398 : memref<1024x128xf32, #tpu.memory_space<vmem>>)
    %dma_wait3A_402 = arith.constant 11264 : i32
    %dma_wait3A_403 = arith.constant 0 : i32
    %dma_wait3A_404 = tpu.memref_slice %arg5[%dma_wait3A_402, %dma_wait3A_403] : memref<16384x128xf32, #tpu.memory_space<vmem>> -> memref<1024x128xf32, #tpu.memory_space<vmem>>
    %dma_wait3A_405 = arith.constant 11264 : i32
    %dma_wait3A_406 = arith.constant 0 : i32
    %dma_wait3A_407 = tpu.memref_slice %arg1[%dma_wait3A_405, %dma_wait3A_406] : memref<16384x128xf32, #tpu.memory_space<hbm>> -> memref<1024x128xf32, #tpu.memory_space<hbm>>
    tpu.wait_dma2 semaphore(%arg11 : memref<!tpu.dma_semaphore, #tpu.memory_space<semaphore_mem>>) src(%dma_wait3A_407 : memref<1024x128xf32, #tpu.memory_space<hbm>>) dst(%dma_wait3A_404 : memref<1024x128xf32, #tpu.memory_space<vmem>>)
    %get3A_408 = arith.constant 3072 : index
    %get3A_409 = arith.constant 0 : index
    %get3A_410 = vector.load %arg5[%get3A_408, %get3A_409] : memref<16384x128xf32, #tpu.memory_space<vmem>>, vector<1024x128xf32>
    %get3A_411 = arith.constant 11264 : index
    %get3A_412 = arith.constant 0 : index
    %get3A_413 = vector.load %arg5[%get3A_411, %get3A_412] : memref<16384x128xf32, #tpu.memory_space<vmem>>, vector<1024x128xf32>
    %mul3A_414 = arith.mulf %get3A_410, %get3A_410 : vector<1024x128xf32>
    %reduce_sum3A_415 = arith.constant dense<0.000000e+00> : vector<1024xf32>
    %reduce_sum3A_416 = vector.multi_reduction <add>, %mul3A_414, %reduce_sum3A_415 [1] : vector<1024x128xf32> to vector<1024xf32>
    %broadcast_in_dim3A_417 = vector.shape_cast %reduce_sum3A_416 : vector<1024xf32> to vector<1024x1xf32>
    %sqrt3A_418 = math.sqrt %broadcast_in_dim3A_417 : vector<1024x1xf32>
    %mul3A_419 = arith.mulf %get3A_413, %get3A_413 : vector<1024x128xf32>
    %reduce_sum3A_420 = arith.constant dense<0.000000e+00> : vector<1024xf32>
    %reduce_sum3A_421 = vector.multi_reduction <add>, %mul3A_419, %reduce_sum3A_420 [1] : vector<1024x128xf32> to vector<1024xf32>
    %broadcast_in_dim3A_422 = vector.shape_cast %reduce_sum3A_421 : vector<1024xf32> to vector<1024x1xf32>
    %sqrt3A_423 = math.sqrt %broadcast_in_dim3A_422 : vector<1024x1xf32>
    %max3A_424 = arith.constant 9.99999996E-13 : f32
    %max3A_425 = vector.broadcast %max3A_424 : f32 to vector<1024x1xf32>
    %max3A_426 = arith.maximumf %sqrt3A_418, %max3A_425 : vector<1024x1xf32>
    %div3A_427 = vector.broadcast %max3A_426 : vector<1024x1xf32> to vector<1024x128xf32>
    %div3A_428 = arith.divf %get3A_410, %div3A_427 : vector<1024x128xf32>
    %max3A_429 = arith.constant 9.99999996E-13 : f32
    %max3A_430 = vector.broadcast %max3A_429 : f32 to vector<1024x1xf32>
    %max3A_431 = arith.maximumf %sqrt3A_423, %max3A_430 : vector<1024x1xf32>
    %div3A_432 = vector.broadcast %max3A_431 : vector<1024x1xf32> to vector<1024x128xf32>
    %div3A_433 = arith.divf %get3A_413, %div3A_432 : vector<1024x128xf32>
    %add3A_434 = arith.addf %div3A_428, %div3A_433 : vector<1024x128xf32>
    %mul3A_435 = arith.constant 5.000000e-01 : f32
    %mul3A_436 = vector.broadcast %mul3A_435 : f32 to vector<1024x128xf32>
    %mul3A_437 = arith.mulf %add3A_434, %mul3A_436 : vector<1024x128xf32>
    %mul3A_438 = arith.mulf %mul3A_437, %mul3A_437 : vector<1024x128xf32>
    %reduce_sum3A_439 = arith.constant dense<0.000000e+00> : vector<1024xf32>
    %reduce_sum3A_440 = vector.multi_reduction <add>, %mul3A_438, %reduce_sum3A_439 [1] : vector<1024x128xf32> to vector<1024xf32>
    %broadcast_in_dim3A_441 = vector.shape_cast %reduce_sum3A_440 : vector<1024xf32> to vector<1024x1xf32>
    %sqrt3A_442 = math.sqrt %broadcast_in_dim3A_441 : vector<1024x1xf32>
    %max3A_443 = arith.constant 9.99999996E-13 : f32
    %max3A_444 = vector.broadcast %max3A_443 : f32 to vector<1024x1xf32>
    %max3A_445 = arith.maximumf %sqrt3A_442, %max3A_444 : vector<1024x1xf32>
    %div3A_446 = vector.broadcast %max3A_445 : vector<1024x1xf32> to vector<1024x128xf32>
    %div3A_447 = arith.divf %mul3A_437, %div3A_446 : vector<1024x128xf32>
    %swap3A_448 = arith.constant 3072 : index
    %swap3A_449 = arith.constant 0 : index
    %swap3A_450 = vector.load %arg6[%swap3A_448, %swap3A_449] : memref<8192x128xf32, #tpu.memory_space<vmem>>, vector<1024x128xf32>
    tpu.vector_store %arg6[%swap3A_448, %swap3A_449], %div3A_447 {strides = array<i32>} : memref<8192x128xf32, #tpu.memory_space<vmem>>, vector<1024x128xf32>,
    %dma_start3A_451 = arith.constant 3072 : i32
    %dma_start3A_452 = arith.constant 0 : i32
    %dma_start3A_453 = tpu.memref_slice %arg3[%dma_start3A_451, %dma_start3A_452] : memref<8192x128xf32, #tpu.memory_space<hbm>> -> memref<1024x128xf32, #tpu.memory_space<hbm>>
    %dma_start3A_454 = arith.constant 3072 : i32
    %dma_start3A_455 = arith.constant 0 : i32
    %dma_start3A_456 = tpu.memref_slice %arg6[%dma_start3A_454, %dma_start3A_455] : memref<8192x128xf32, #tpu.memory_space<vmem>> -> memref<1024x128xf32, #tpu.memory_space<vmem>>
    tpu.enqueue_dma source(%dma_start3A_456 : memref<1024x128xf32, #tpu.memory_space<vmem>>) target(%dma_start3A_453 : memref<1024x128xf32, #tpu.memory_space<hbm>>) target_semaphore(%arg12 : memref<!tpu.dma_semaphore, #tpu.memory_space<semaphore_mem>>)
    %dma_wait3A_457 = arith.constant 2 : i32
    %dma_wait3A_458 = arith.constant 10000 : i32
    %dma_wait3A_459 = arith.constant 0 : i32
    %dma_wait3A_460 = tpu.memref_slice %arg2[%dma_wait3A_458, %dma_wait3A_459] : memref<100000x128xf32, #tpu.memory_space<hbm>> -> memref<5000x128xf32, #tpu.memory_space<hbm>>
    %dma_wait3A_461 = arith.constant 0 : i32
    %dma_wait3A_462 = arith.constant 0 : i32
    %dma_wait3A_463 = tpu.memref_slice %arg4[%dma_wait3A_457, %dma_wait3A_461, %dma_wait3A_462] : memref<4x5000x128xf32, #tpu.memory_space<vmem>> -> memref<1x5000x128xf32, #tpu.memory_space<vmem>>
    %dma_wait3A_464 = tpu.memref_squeeze %dma_wait3A_463 : memref<1x5000x128xf32, #tpu.memory_space<vmem>> -> memref<5000x128xf32, #tpu.memory_space<vmem>>
    tpu.wait_dma2 semaphore(%arg9 : memref<!tpu.dma_semaphore, #tpu.memory_space<semaphore_mem>>) src(%dma_wait3A_464 : memref<5000x128xf32, #tpu.memory_space<vmem>>) dst(%dma_wait3A_460 : memref<5000x128xf32, #tpu.memory_space<hbm>>)
    %dma_start3A_465 = arith.constant 2 : i32
    %dma_start3A_466 = arith.constant 0 : i32
    %dma_start3A_467 = arith.constant 0 : i32
    %dma_start3A_468 = tpu.memref_slice %arg4[%dma_start3A_465, %dma_start3A_466, %dma_start3A_467] : memref<4x5000x128xf32, #tpu.memory_space<vmem>> -> memref<1x5000x128xf32, #tpu.memory_space<vmem>>
    %dma_start3A_469 = tpu.memref_squeeze %dma_start3A_468 : memref<1x5000x128xf32, #tpu.memory_space<vmem>> -> memref<5000x128xf32, #tpu.memory_space<vmem>>
    %dma_start3A_470 = arith.constant 30000 : i32
    %dma_start3A_471 = arith.constant 0 : i32
    %dma_start3A_472 = tpu.memref_slice %arg0[%dma_start3A_470, %dma_start3A_471] : memref<100000x128xf32, #tpu.memory_space<hbm>> -> memref<5000x128xf32, #tpu.memory_space<hbm>>
    tpu.enqueue_dma source(%dma_start3A_472 : memref<5000x128xf32, #tpu.memory_space<hbm>>) target(%dma_start3A_469 : memref<5000x128xf32, #tpu.memory_space<vmem>>) target_semaphore(%arg7 : memref<!tpu.dma_semaphore, #tpu.memory_space<semaphore_mem>>)
    %dma_wait3A_473 = arith.constant 0 : i32
    %dma_wait3A_474 = arith.constant 0 : i32
    %dma_wait3A_475 = arith.constant 0 : i32
    %dma_wait3A_476 = tpu.memref_slice %arg4[%dma_wait3A_473, %dma_wait3A_474, %dma_wait3A_475] : memref<4x5000x128xf32, #tpu.memory_space<vmem>> -> memref<1x5000x128xf32, #tpu.memory_space<vmem>>
    %dma_wait3A_477 = tpu.memref_squeeze %dma_wait3A_476 : memref<1x5000x128xf32, #tpu.memory_space<vmem>> -> memref<5000x128xf32, #tpu.memory_space<vmem>>
    %dma_wait3A_478 = arith.constant 20000 : i32
    %dma_wait3A_479 = arith.constant 0 : i32
    %dma_wait3A_480 = tpu.memref_slice %arg0[%dma_wait3A_478, %dma_wait3A_479] : memref<100000x128xf32, #tpu.memory_space<hbm>> -> memref<5000x128xf32, #tpu.memory_space<hbm>>
    tpu.wait_dma2 semaphore(%arg7 : memref<!tpu.dma_semaphore, #tpu.memory_space<semaphore_mem>>) src(%dma_wait3A_480 : memref<5000x128xf32, #tpu.memory_space<hbm>>) dst(%dma_wait3A_477 : memref<5000x128xf32, #tpu.memory_space<vmem>>)
    %dma_start3A_481 = arith.constant 0 : i32
    %dma_start3A_482 = arith.constant 20000 : i32
    %dma_start3A_483 = arith.constant 0 : i32
    %dma_start3A_484 = tpu.memref_slice %arg2[%dma_start3A_482, %dma_start3A_483] : memref<100000x128xf32, #tpu.memory_space<hbm>> -> memref<5000x128xf32, #tpu.memory_space<hbm>>
    %dma_start3A_485 = arith.constant 0 : i32
    %dma_start3A_486 = arith.constant 0 : i32
    %dma_start3A_487 = tpu.memref_slice %arg4[%dma_start3A_481, %dma_start3A_485, %dma_start3A_486] : memref<4x5000x128xf32, #tpu.memory_space<vmem>> -> memref<1x5000x128xf32, #tpu.memory_space<vmem>>
    %dma_start3A_488 = tpu.memref_squeeze %dma_start3A_487 : memref<1x5000x128xf32, #tpu.memory_space<vmem>> -> memref<5000x128xf32, #tpu.memory_space<vmem>>
    tpu.enqueue_dma source(%dma_start3A_488 : memref<5000x128xf32, #tpu.memory_space<vmem>>) target(%dma_start3A_484 : memref<5000x128xf32, #tpu.memory_space<hbm>>) target_semaphore(%arg9 : memref<!tpu.dma_semaphore, #tpu.memory_space<semaphore_mem>>)
    %dma_wait3A_489 = arith.constant 4096 : i32
    %dma_wait3A_490 = arith.constant 0 : i32
    %dma_wait3A_491 = tpu.memref_slice %arg5[%dma_wait3A_489, %dma_wait3A_490] : memref<16384x128xf32, #tpu.memory_space<vmem>> -> memref<1024x128xf32, #tpu.memory_space<vmem>>
    %dma_wait3A_492 = arith.constant 4096 : i32
    %dma_wait3A_493 = arith.constant 0 : i32
    %dma_wait3A_494 = tpu.memref_slice %arg1[%dma_wait3A_492, %dma_wait3A_493] : memref<16384x128xf32, #tpu.memory_space<hbm>> -> memref<1024x128xf32, #tpu.memory_space<hbm>>
    tpu.wait_dma2 semaphore(%arg11 : memref<!tpu.dma_semaphore, #tpu.memory_space<semaphore_mem>>) src(%dma_wait3A_494 : memref<1024x128xf32, #tpu.memory_space<hbm>>) dst(%dma_wait3A_491 : memref<1024x128xf32, #tpu.memory_space<vmem>>)
    %dma_wait3A_495 = arith.constant 12288 : i32
    %dma_wait3A_496 = arith.constant 0 : i32
    %dma_wait3A_497 = tpu.memref_slice %arg5[%dma_wait3A_495, %dma_wait3A_496] : memref<16384x128xf32, #tpu.memory_space<vmem>> -> memref<1024x128xf32, #tpu.memory_space<vmem>>
    %dma_wait3A_498 = arith.constant 12288 : i32
    %dma_wait3A_499 = arith.constant 0 : i32
    %dma_wait3A_500 = tpu.memref_slice %arg1[%dma_wait3A_498, %dma_wait3A_499] : memref<16384x128xf32, #tpu.memory_space<hbm>> -> memref<1024x128xf32, #tpu.memory_space<hbm>>
    tpu.wait_dma2 semaphore(%arg11 : memref<!tpu.dma_semaphore, #tpu.memory_space<semaphore_mem>>) src(%dma_wait3A_500 : memref<1024x128xf32, #tpu.memory_space<hbm>>) dst(%dma_wait3A_497 : memref<1024x128xf32, #tpu.memory_space<vmem>>)
    %get3A_501 = arith.constant 4096 : index
    %get3A_502 = arith.constant 0 : index
    %get3A_503 = vector.load %arg5[%get3A_501, %get3A_502] : memref<16384x128xf32, #tpu.memory_space<vmem>>, vector<1024x128xf32>
    %get3A_504 = arith.constant 12288 : index
    %get3A_505 = arith.constant 0 : index
    %get3A_506 = vector.load %arg5[%get3A_504, %get3A_505] : memref<16384x128xf32, #tpu.memory_space<vmem>>, vector<1024x128xf32>
    %mul3A_507 = arith.mulf %get3A_503, %get3A_503 : vector<1024x128xf32>
    %reduce_sum3A_508 = arith.constant dense<0.000000e+00> : vector<1024xf32>
    %reduce_sum3A_509 = vector.multi_reduction <add>, %mul3A_507, %reduce_sum3A_508 [1] : vector<1024x128xf32> to vector<1024xf32>
    %broadcast_in_dim3A_510 = vector.shape_cast %reduce_sum3A_509 : vector<1024xf32> to vector<1024x1xf32>
    %sqrt3A_511 = math.sqrt %broadcast_in_dim3A_510 : vector<1024x1xf32>
    %mul3A_512 = arith.mulf %get3A_506, %get3A_506 : vector<1024x128xf32>
    %reduce_sum3A_513 = arith.constant dense<0.000000e+00> : vector<1024xf32>
    %reduce_sum3A_514 = vector.multi_reduction <add>, %mul3A_512, %reduce_sum3A_513 [1] : vector<1024x128xf32> to vector<1024xf32>
    %broadcast_in_dim3A_515 = vector.shape_cast %reduce_sum3A_514 : vector<1024xf32> to vector<1024x1xf32>
    %sqrt3A_516 = math.sqrt %broadcast_in_dim3A_515 : vector<1024x1xf32>
    %max3A_517 = arith.constant 9.99999996E-13 : f32
    %max3A_518 = vector.broadcast %max3A_517 : f32 to vector<1024x1xf32>
    %max3A_519 = arith.maximumf %sqrt3A_511, %max3A_518 : vector<1024x1xf32>
    %div3A_520 = vector.broadcast %max3A_519 : vector<1024x1xf32> to vector<1024x128xf32>
    %div3A_521 = arith.divf %get3A_503, %div3A_520 : vector<1024x128xf32>
    %max3A_522 = arith.constant 9.99999996E-13 : f32
    %max3A_523 = vector.broadcast %max3A_522 : f32 to vector<1024x1xf32>
    %max3A_524 = arith.maximumf %sqrt3A_516, %max3A_523 : vector<1024x1xf32>
    %div3A_525 = vector.broadcast %max3A_524 : vector<1024x1xf32> to vector<1024x128xf32>
    %div3A_526 = arith.divf %get3A_506, %div3A_525 : vector<1024x128xf32>
    %add3A_527 = arith.addf %div3A_521, %div3A_526 : vector<1024x128xf32>
    %mul3A_528 = arith.constant 5.000000e-01 : f32
    %mul3A_529 = vector.broadcast %mul3A_528 : f32 to vector<1024x128xf32>
    %mul3A_530 = arith.mulf %add3A_527, %mul3A_529 : vector<1024x128xf32>
    %mul3A_531 = arith.mulf %mul3A_530, %mul3A_530 : vector<1024x128xf32>
    %reduce_sum3A_532 = arith.constant dense<0.000000e+00> : vector<1024xf32>
    %reduce_sum3A_533 = vector.multi_reduction <add>, %mul3A_531, %reduce_sum3A_532 [1] : vector<1024x128xf32> to vector<1024xf32>
    %broadcast_in_dim3A_534 = vector.shape_cast %reduce_sum3A_533 : vector<1024xf32> to vector<1024x1xf32>
    %sqrt3A_535 = math.sqrt %broadcast_in_dim3A_534 : vector<1024x1xf32>
    %max3A_536 = arith.constant 9.99999996E-13 : f32
    %max3A_537 = vector.broadcast %max3A_536 : f32 to vector<1024x1xf32>
    %max3A_538 = arith.maximumf %sqrt3A_535, %max3A_537 : vector<1024x1xf32>
    %div3A_539 = vector.broadcast %max3A_538 : vector<1024x1xf32> to vector<1024x128xf32>
    %div3A_540 = arith.divf %mul3A_530, %div3A_539 : vector<1024x128xf32>
    %swap3A_541 = arith.constant 4096 : index
    %swap3A_542 = arith.constant 0 : index
    %swap3A_543 = vector.load %arg6[%swap3A_541, %swap3A_542] : memref<8192x128xf32, #tpu.memory_space<vmem>>, vector<1024x128xf32>
    tpu.vector_store %arg6[%swap3A_541, %swap3A_542], %div3A_540 {strides = array<i32>} : memref<8192x128xf32, #tpu.memory_space<vmem>>, vector<1024x128xf32>,
    %dma_start3A_544 = arith.constant 4096 : i32
    %dma_start3A_545 = arith.constant 0 : i32
    %dma_start3A_546 = tpu.memref_slice %arg3[%dma_start3A_544, %dma_start3A_545] : memref<8192x128xf32, #tpu.memory_space<hbm>> -> memref<1024x128xf32, #tpu.memory_space<hbm>>
    %dma_start3A_547 = arith.constant 4096 : i32
    %dma_start3A_548 = arith.constant 0 : i32
    %dma_start3A_549 = tpu.memref_slice %arg6[%dma_start3A_547, %dma_start3A_548] : memref<8192x128xf32, #tpu.memory_space<vmem>> -> memref<1024x128xf32, #tpu.memory_space<vmem>>
    tpu.enqueue_dma source(%dma_start3A_549 : memref<1024x128xf32, #tpu.memory_space<vmem>>) target(%dma_start3A_546 : memref<1024x128xf32, #tpu.memory_space<hbm>>) target_semaphore(%arg12 : memref<!tpu.dma_semaphore, #tpu.memory_space<semaphore_mem>>)
    %dma_wait3A_550 = arith.constant 3 : i32
    %dma_wait3A_551 = arith.constant 15000 : i32
    %dma_wait3A_552 = arith.constant 0 : i32
    %dma_wait3A_553 = tpu.memref_slice %arg2[%dma_wait3A_551, %dma_wait3A_552] : memref<100000x128xf32, #tpu.memory_space<hbm>> -> memref<5000x128xf32, #tpu.memory_space<hbm>>
    %dma_wait3A_554 = arith.constant 0 : i32
    %dma_wait3A_555 = arith.constant 0 : i32
    %dma_wait3A_556 = tpu.memref_slice %arg4[%dma_wait3A_550, %dma_wait3A_554, %dma_wait3A_555] : memref<4x5000x128xf32, #tpu.memory_space<vmem>> -> memref<1x5000x128xf32, #tpu.memory_space<vmem>>
    %dma_wait3A_557 = tpu.memref_squeeze %dma_wait3A_556 : memref<1x5000x128xf32, #tpu.memory_space<vmem>> -> memref<5000x128xf32, #tpu.memory_space<vmem>>
    tpu.wait_dma2 semaphore(%arg10 : memref<!tpu.dma_semaphore, #tpu.memory_space<semaphore_mem>>) src(%dma_wait3A_557 : memref<5000x128xf32, #tpu.memory_space<vmem>>) dst(%dma_wait3A_553 : memref<5000x128xf32, #tpu.memory_space<hbm>>)
    %dma_start3A_558 = arith.constant 3 : i32
    %dma_start3A_559 = arith.constant 0 : i32
    %dma_start3A_560 = arith.constant 0 : i32
    %dma_start3A_561 = tpu.memref_slice %arg4[%dma_start3A_558, %dma_start3A_559, %dma_start3A_560] : memref<4x5000x128xf32, #tpu.memory_space<vmem>> -> memref<1x5000x128xf32, #tpu.memory_space<vmem>>
    %dma_start3A_562 = tpu.memref_squeeze %dma_start3A_561 : memref<1x5000x128xf32, #tpu.memory_space<vmem>> -> memref<5000x128xf32, #tpu.memory_space<vmem>>
    %dma_start3A_563 = arith.constant 35000 : i32
    %dma_start3A_564 = arith.constant 0 : i32
    %dma_start3A_565 = tpu.memref_slice %arg0[%dma_start3A_563, %dma_start3A_564] : memref<100000x128xf32, #tpu.memory_space<hbm>> -> memref<5000x128xf32, #tpu.memory_space<hbm>>
    tpu.enqueue_dma source(%dma_start3A_565 : memref<5000x128xf32, #tpu.memory_space<hbm>>) target(%dma_start3A_562 : memref<5000x128xf32, #tpu.memory_space<vmem>>) target_semaphore(%arg8 : memref<!tpu.dma_semaphore, #tpu.memory_space<semaphore_mem>>)
    %dma_wait3A_566 = arith.constant 1 : i32
    %dma_wait3A_567 = arith.constant 0 : i32
    %dma_wait3A_568 = arith.constant 0 : i32
    %dma_wait3A_569 = tpu.memref_slice %arg4[%dma_wait3A_566, %dma_wait3A_567, %dma_wait3A_568] : memref<4x5000x128xf32, #tpu.memory_space<vmem>> -> memref<1x5000x128xf32, #tpu.memory_space<vmem>>
    %dma_wait3A_570 = tpu.memref_squeeze %dma_wait3A_569 : memref<1x5000x128xf32, #tpu.memory_space<vmem>> -> memref<5000x128xf32, #tpu.memory_space<vmem>>
    %dma_wait3A_571 = arith.constant 25000 : i32
    %dma_wait3A_572 = arith.constant 0 : i32
    %dma_wait3A_573 = tpu.memref_slice %arg0[%dma_wait3A_571, %dma_wait3A_572] : memref<100000x128xf32, #tpu.memory_space<hbm>> -> memref<5000x128xf32, #tpu.memory_space<hbm>>
    tpu.wait_dma2 semaphore(%arg8 : memref<!tpu.dma_semaphore, #tpu.memory_space<semaphore_mem>>) src(%dma_wait3A_573 : memref<5000x128xf32, #tpu.memory_space<hbm>>) dst(%dma_wait3A_570 : memref<5000x128xf32, #tpu.memory_space<vmem>>)
    %dma_start3A_574 = arith.constant 1 : i32
    %dma_start3A_575 = arith.constant 25000 : i32
    %dma_start3A_576 = arith.constant 0 : i32
    %dma_start3A_577 = tpu.memref_slice %arg2[%dma_start3A_575, %dma_start3A_576] : memref<100000x128xf32, #tpu.memory_space<hbm>> -> memref<5000x128xf32, #tpu.memory_space<hbm>>
    %dma_start3A_578 = arith.constant 0 : i32
    %dma_start3A_579 = arith.constant 0 : i32
    %dma_start3A_580 = tpu.memref_slice %arg4[%dma_start3A_574, %dma_start3A_578, %dma_start3A_579] : memref<4x5000x128xf32, #tpu.memory_space<vmem>> -> memref<1x5000x128xf32, #tpu.memory_space<vmem>>
    %dma_start3A_581 = tpu.memref_squeeze %dma_start3A_580 : memref<1x5000x128xf32, #tpu.memory_space<vmem>> -> memref<5000x128xf32, #tpu.memory_space<vmem>>
    tpu.enqueue_dma source(%dma_start3A_581 : memref<5000x128xf32, #tpu.memory_space<vmem>>) target(%dma_start3A_577 : memref<5000x128xf32, #tpu.memory_space<hbm>>) target_semaphore(%arg10 : memref<!tpu.dma_semaphore, #tpu.memory_space<semaphore_mem>>)
    %dma_wait3A_582 = arith.constant 5120 : i32
    %dma_wait3A_583 = arith.constant 0 : i32
    %dma_wait3A_584 = tpu.memref_slice %arg5[%dma_wait3A_582, %dma_wait3A_583] : memref<16384x128xf32, #tpu.memory_space<vmem>> -> memref<1024x128xf32, #tpu.memory_space<vmem>>
    %dma_wait3A_585 = arith.constant 5120 : i32
    %dma_wait3A_586 = arith.constant 0 : i32
    %dma_wait3A_587 = tpu.memref_slice %arg1[%dma_wait3A_585, %dma_wait3A_586] : memref<16384x128xf32, #tpu.memory_space<hbm>> -> memref<1024x128xf32, #tpu.memory_space<hbm>>
    tpu.wait_dma2 semaphore(%arg11 : memref<!tpu.dma_semaphore, #tpu.memory_space<semaphore_mem>>) src(%dma_wait3A_587 : memref<1024x128xf32, #tpu.memory_space<hbm>>) dst(%dma_wait3A_584 : memref<1024x128xf32, #tpu.memory_space<vmem>>)
    %dma_wait3A_588 = arith.constant 13312 : i32
    %dma_wait3A_589 = arith.constant 0 : i32
    %dma_wait3A_590 = tpu.memref_slice %arg5[%dma_wait3A_588, %dma_wait3A_589] : memref<16384x128xf32, #tpu.memory_space<vmem>> -> memref<1024x128xf32, #tpu.memory_space<vmem>>
    %dma_wait3A_591 = arith.constant 13312 : i32
    %dma_wait3A_592 = arith.constant 0 : i32
    %dma_wait3A_593 = tpu.memref_slice %arg1[%dma_wait3A_591, %dma_wait3A_592] : memref<16384x128xf32, #tpu.memory_space<hbm>> -> memref<1024x128xf32, #tpu.memory_space<hbm>>
    tpu.wait_dma2 semaphore(%arg11 : memref<!tpu.dma_semaphore, #tpu.memory_space<semaphore_mem>>) src(%dma_wait3A_593 : memref<1024x128xf32, #tpu.memory_space<hbm>>) dst(%dma_wait3A_590 : memref<1024x128xf32, #tpu.memory_space<vmem>>)
    %get3A_594 = arith.constant 5120 : index
    %get3A_595 = arith.constant 0 : index
    %get3A_596 = vector.load %arg5[%get3A_594, %get3A_595] : memref<16384x128xf32, #tpu.memory_space<vmem>>, vector<1024x128xf32>
    %get3A_597 = arith.constant 13312 : index
    %get3A_598 = arith.constant 0 : index
    %get3A_599 = vector.load %arg5[%get3A_597, %get3A_598] : memref<16384x128xf32, #tpu.memory_space<vmem>>, vector<1024x128xf32>
    %mul3A_600 = arith.mulf %get3A_596, %get3A_596 : vector<1024x128xf32>
    %reduce_sum3A_601 = arith.constant dense<0.000000e+00> : vector<1024xf32>
    %reduce_sum3A_602 = vector.multi_reduction <add>, %mul3A_600, %reduce_sum3A_601 [1] : vector<1024x128xf32> to vector<1024xf32>
    %broadcast_in_dim3A_603 = vector.shape_cast %reduce_sum3A_602 : vector<1024xf32> to vector<1024x1xf32>
    %sqrt3A_604 = math.sqrt %broadcast_in_dim3A_603 : vector<1024x1xf32>
    %mul3A_605 = arith.mulf %get3A_599, %get3A_599 : vector<1024x128xf32>
    %reduce_sum3A_606 = arith.constant dense<0.000000e+00> : vector<1024xf32>
    %reduce_sum3A_607 = vector.multi_reduction <add>, %mul3A_605, %reduce_sum3A_606 [1] : vector<1024x128xf32> to vector<1024xf32>
    %broadcast_in_dim3A_608 = vector.shape_cast %reduce_sum3A_607 : vector<1024xf32> to vector<1024x1xf32>
    %sqrt3A_609 = math.sqrt %broadcast_in_dim3A_608 : vector<1024x1xf32>
    %max3A_610 = arith.constant 9.99999996E-13 : f32
    %max3A_611 = vector.broadcast %max3A_610 : f32 to vector<1024x1xf32>
    %max3A_612 = arith.maximumf %sqrt3A_604, %max3A_611 : vector<1024x1xf32>
    %div3A_613 = vector.broadcast %max3A_612 : vector<1024x1xf32> to vector<1024x128xf32>
    %div3A_614 = arith.divf %get3A_596, %div3A_613 : vector<1024x128xf32>
    %max3A_615 = arith.constant 9.99999996E-13 : f32
    %max3A_616 = vector.broadcast %max3A_615 : f32 to vector<1024x1xf32>
    %max3A_617 = arith.maximumf %sqrt3A_609, %max3A_616 : vector<1024x1xf32>
    %div3A_618 = vector.broadcast %max3A_617 : vector<1024x1xf32> to vector<1024x128xf32>
    %div3A_619 = arith.divf %get3A_599, %div3A_618 : vector<1024x128xf32>
    %add3A_620 = arith.addf %div3A_614, %div3A_619 : vector<1024x128xf32>
    %mul3A_621 = arith.constant 5.000000e-01 : f32
    %mul3A_622 = vector.broadcast %mul3A_621 : f32 to vector<1024x128xf32>
    %mul3A_623 = arith.mulf %add3A_620, %mul3A_622 : vector<1024x128xf32>
    %mul3A_624 = arith.mulf %mul3A_623, %mul3A_623 : vector<1024x128xf32>
    %reduce_sum3A_625 = arith.constant dense<0.000000e+00> : vector<1024xf32>
    %reduce_sum3A_626 = vector.multi_reduction <add>, %mul3A_624, %reduce_sum3A_625 [1] : vector<1024x128xf32> to vector<1024xf32>
    %broadcast_in_dim3A_627 = vector.shape_cast %reduce_sum3A_626 : vector<1024xf32> to vector<1024x1xf32>
    %sqrt3A_628 = math.sqrt %broadcast_in_dim3A_627 : vector<1024x1xf32>
    %max3A_629 = arith.constant 9.99999996E-13 : f32
    %max3A_630 = vector.broadcast %max3A_629 : f32 to vector<1024x1xf32>
    %max3A_631 = arith.maximumf %sqrt3A_628, %max3A_630 : vector<1024x1xf32>
    %div3A_632 = vector.broadcast %max3A_631 : vector<1024x1xf32> to vector<1024x128xf32>
    %div3A_633 = arith.divf %mul3A_623, %div3A_632 : vector<1024x128xf32>
    %swap3A_634 = arith.constant 5120 : index
    %swap3A_635 = arith.constant 0 : index
    %swap3A_636 = vector.load %arg6[%swap3A_634, %swap3A_635] : memref<8192x128xf32, #tpu.memory_space<vmem>>, vector<1024x128xf32>
    tpu.vector_store %arg6[%swap3A_634, %swap3A_635], %div3A_633 {strides = array<i32>} : memref<8192x128xf32, #tpu.memory_space<vmem>>, vector<1024x128xf32>,
    %dma_start3A_637 = arith.constant 5120 : i32
    %dma_start3A_638 = arith.constant 0 : i32
    %dma_start3A_639 = tpu.memref_slice %arg3[%dma_start3A_637, %dma_start3A_638] : memref<8192x128xf32, #tpu.memory_space<hbm>> -> memref<1024x128xf32, #tpu.memory_space<hbm>>
    %dma_start3A_640 = arith.constant 5120 : i32
    %dma_start3A_641 = arith.constant 0 : i32
    %dma_start3A_642 = tpu.memref_slice %arg6[%dma_start3A_640, %dma_start3A_641] : memref<8192x128xf32, #tpu.memory_space<vmem>> -> memref<1024x128xf32, #tpu.memory_space<vmem>>
    tpu.enqueue_dma source(%dma_start3A_642 : memref<1024x128xf32, #tpu.memory_space<vmem>>) target(%dma_start3A_639 : memref<1024x128xf32, #tpu.memory_space<hbm>>) target_semaphore(%arg12 : memref<!tpu.dma_semaphore, #tpu.memory_space<semaphore_mem>>)
    %dma_wait3A_643 = arith.constant 0 : i32
    %dma_wait3A_644 = arith.constant 20000 : i32
    %dma_wait3A_645 = arith.constant 0 : i32
    %dma_wait3A_646 = tpu.memref_slice %arg2[%dma_wait3A_644, %dma_wait3A_645] : memref<100000x128xf32, #tpu.memory_space<hbm>> -> memref<5000x128xf32, #tpu.memory_space<hbm>>
    %dma_wait3A_647 = arith.constant 0 : i32
    %dma_wait3A_648 = arith.constant 0 : i32
    %dma_wait3A_649 = tpu.memref_slice %arg4[%dma_wait3A_643, %dma_wait3A_647, %dma_wait3A_648] : memref<4x5000x128xf32, #tpu.memory_space<vmem>> -> memref<1x5000x128xf32, #tpu.memory_space<vmem>>
    %dma_wait3A_650 = tpu.memref_squeeze %dma_wait3A_649 : memref<1x5000x128xf32, #tpu.memory_space<vmem>> -> memref<5000x128xf32, #tpu.memory_space<vmem>>
    tpu.wait_dma2 semaphore(%arg9 : memref<!tpu.dma_semaphore, #tpu.memory_space<semaphore_mem>>) src(%dma_wait3A_650 : memref<5000x128xf32, #tpu.memory_space<vmem>>) dst(%dma_wait3A_646 : memref<5000x128xf32, #tpu.memory_space<hbm>>)
    %dma_start3A_651 = arith.constant 0 : i32
    %dma_start3A_652 = arith.constant 0 : i32
    %dma_start3A_653 = arith.constant 0 : i32
    %dma_start3A_654 = tpu.memref_slice %arg4[%dma_start3A_651, %dma_start3A_652, %dma_start3A_653] : memref<4x5000x128xf32, #tpu.memory_space<vmem>> -> memref<1x5000x128xf32, #tpu.memory_space<vmem>>
    %dma_start3A_655 = tpu.memref_squeeze %dma_start3A_654 : memref<1x5000x128xf32, #tpu.memory_space<vmem>> -> memref<5000x128xf32, #tpu.memory_space<vmem>>
    %dma_start3A_656 = arith.constant 40000 : i32
    %dma_start3A_657 = arith.constant 0 : i32
    %dma_start3A_658 = tpu.memref_slice %arg0[%dma_start3A_656, %dma_start3A_657] : memref<100000x128xf32, #tpu.memory_space<hbm>> -> memref<5000x128xf32, #tpu.memory_space<hbm>>
    tpu.enqueue_dma source(%dma_start3A_658 : memref<5000x128xf32, #tpu.memory_space<hbm>>) target(%dma_start3A_655 : memref<5000x128xf32, #tpu.memory_space<vmem>>) target_semaphore(%arg7 : memref<!tpu.dma_semaphore, #tpu.memory_space<semaphore_mem>>)
    %dma_wait3A_659 = arith.constant 2 : i32
    %dma_wait3A_660 = arith.constant 0 : i32
    %dma_wait3A_661 = arith.constant 0 : i32
    %dma_wait3A_662 = tpu.memref_slice %arg4[%dma_wait3A_659, %dma_wait3A_660, %dma_wait3A_661] : memref<4x5000x128xf32, #tpu.memory_space<vmem>> -> memref<1x5000x128xf32, #tpu.memory_space<vmem>>
    %dma_wait3A_663 = tpu.memref_squeeze %dma_wait3A_662 : memref<1x5000x128xf32, #tpu.memory_space<vmem>> -> memref<5000x128xf32, #tpu.memory_space<vmem>>
    %dma_wait3A_664 = arith.constant 30000 : i32
    %dma_wait3A_665 = arith.constant 0 : i32
    %dma_wait3A_666 = tpu.memref_slice %arg0[%dma_wait3A_664, %dma_wait3A_665] : memref<100000x128xf32, #tpu.memory_space<hbm>> -> memref<5000x128xf32, #tpu.memory_space<hbm>>
    tpu.wait_dma2 semaphore(%arg7 : memref<!tpu.dma_semaphore, #tpu.memory_space<semaphore_mem>>) src(%dma_wait3A_666 : memref<5000x128xf32, #tpu.memory_space<hbm>>) dst(%dma_wait3A_663 : memref<5000x128xf32, #tpu.memory_space<vmem>>)
    %dma_start3A_667 = arith.constant 2 : i32
    %dma_start3A_668 = arith.constant 30000 : i32
    %dma_start3A_669 = arith.constant 0 : i32
    %dma_start3A_670 = tpu.memref_slice %arg2[%dma_start3A_668, %dma_start3A_669] : memref<100000x128xf32, #tpu.memory_space<hbm>> -> memref<5000x128xf32, #tpu.memory_space<hbm>>
    %dma_start3A_671 = arith.constant 0 : i32
    %dma_start3A_672 = arith.constant 0 : i32
    %dma_start3A_673 = tpu.memref_slice %arg4[%dma_start3A_667, %dma_start3A_671, %dma_start3A_672] : memref<4x5000x128xf32, #tpu.memory_space<vmem>> -> memref<1x5000x128xf32, #tpu.memory_space<vmem>>
    %dma_start3A_674 = tpu.memref_squeeze %dma_start3A_673 : memref<1x5000x128xf32, #tpu.memory_space<vmem>> -> memref<5000x128xf32, #tpu.memory_space<vmem>>
    tpu.enqueue_dma source(%dma_start3A_674 : memref<5000x128xf32, #tpu.memory_space<vmem>>) target(%dma_start3A_670 : memref<5000x128xf32, #tpu.memory_space<hbm>>) target_semaphore(%arg9 : memref<!tpu.dma_semaphore, #tpu.memory_space<semaphore_mem>>)
    %dma_wait3A_675 = arith.constant 6144 : i32
    %dma_wait3A_676 = arith.constant 0 : i32
    %dma_wait3A_677 = tpu.memref_slice %arg5[%dma_wait3A_675, %dma_wait3A_676] : memref<16384x128xf32, #tpu.memory_space<vmem>> -> memref<1024x128xf32, #tpu.memory_space<vmem>>
    %dma_wait3A_678 = arith.constant 6144 : i32
    %dma_wait3A_679 = arith.constant 0 : i32
    %dma_wait3A_680 = tpu.memref_slice %arg1[%dma_wait3A_678, %dma_wait3A_679] : memref<16384x128xf32, #tpu.memory_space<hbm>> -> memref<1024x128xf32, #tpu.memory_space<hbm>>
    tpu.wait_dma2 semaphore(%arg11 : memref<!tpu.dma_semaphore, #tpu.memory_space<semaphore_mem>>) src(%dma_wait3A_680 : memref<1024x128xf32, #tpu.memory_space<hbm>>) dst(%dma_wait3A_677 : memref<1024x128xf32, #tpu.memory_space<vmem>>)
    %dma_wait3A_681 = arith.constant 14336 : i32
    %dma_wait3A_682 = arith.constant 0 : i32
    %dma_wait3A_683 = tpu.memref_slice %arg5[%dma_wait3A_681, %dma_wait3A_682] : memref<16384x128xf32, #tpu.memory_space<vmem>> -> memref<1024x128xf32, #tpu.memory_space<vmem>>
    %dma_wait3A_684 = arith.constant 14336 : i32
    %dma_wait3A_685 = arith.constant 0 : i32
    %dma_wait3A_686 = tpu.memref_slice %arg1[%dma_wait3A_684, %dma_wait3A_685] : memref<16384x128xf32, #tpu.memory_space<hbm>> -> memref<1024x128xf32, #tpu.memory_space<hbm>>
    tpu.wait_dma2 semaphore(%arg11 : memref<!tpu.dma_semaphore, #tpu.memory_space<semaphore_mem>>) src(%dma_wait3A_686 : memref<1024x128xf32, #tpu.memory_space<hbm>>) dst(%dma_wait3A_683 : memref<1024x128xf32, #tpu.memory_space<vmem>>)
    %get3A_687 = arith.constant 6144 : index
    %get3A_688 = arith.constant 0 : index
    %get3A_689 = vector.load %arg5[%get3A_687, %get3A_688] : memref<16384x128xf32, #tpu.memory_space<vmem>>, vector<1024x128xf32>
    %get3A_690 = arith.constant 14336 : index
    %get3A_691 = arith.constant 0 : index
    %get3A_692 = vector.load %arg5[%get3A_690, %get3A_691] : memref<16384x128xf32, #tpu.memory_space<vmem>>, vector<1024x128xf32>
    %mul3A_693 = arith.mulf %get3A_689, %get3A_689 : vector<1024x128xf32>
    %reduce_sum3A_694 = arith.constant dense<0.000000e+00> : vector<1024xf32>
    %reduce_sum3A_695 = vector.multi_reduction <add>, %mul3A_693, %reduce_sum3A_694 [1] : vector<1024x128xf32> to vector<1024xf32>
    %broadcast_in_dim3A_696 = vector.shape_cast %reduce_sum3A_695 : vector<1024xf32> to vector<1024x1xf32>
    %sqrt3A_697 = math.sqrt %broadcast_in_dim3A_696 : vector<1024x1xf32>
    %mul3A_698 = arith.mulf %get3A_692, %get3A_692 : vector<1024x128xf32>
    %reduce_sum3A_699 = arith.constant dense<0.000000e+00> : vector<1024xf32>
    %reduce_sum3A_700 = vector.multi_reduction <add>, %mul3A_698, %reduce_sum3A_699 [1] : vector<1024x128xf32> to vector<1024xf32>
    %broadcast_in_dim3A_701 = vector.shape_cast %reduce_sum3A_700 : vector<1024xf32> to vector<1024x1xf32>
    %sqrt3A_702 = math.sqrt %broadcast_in_dim3A_701 : vector<1024x1xf32>
    %max3A_703 = arith.constant 9.99999996E-13 : f32
    %max3A_704 = vector.broadcast %max3A_703 : f32 to vector<1024x1xf32>
    %max3A_705 = arith.maximumf %sqrt3A_697, %max3A_704 : vector<1024x1xf32>
    %div3A_706 = vector.broadcast %max3A_705 : vector<1024x1xf32> to vector<1024x128xf32>
    %div3A_707 = arith.divf %get3A_689, %div3A_706 : vector<1024x128xf32>
    %max3A_708 = arith.constant 9.99999996E-13 : f32
    %max3A_709 = vector.broadcast %max3A_708 : f32 to vector<1024x1xf32>
    %max3A_710 = arith.maximumf %sqrt3A_702, %max3A_709 : vector<1024x1xf32>
    %div3A_711 = vector.broadcast %max3A_710 : vector<1024x1xf32> to vector<1024x128xf32>
    %div3A_712 = arith.divf %get3A_692, %div3A_711 : vector<1024x128xf32>
    %add3A_713 = arith.addf %div3A_707, %div3A_712 : vector<1024x128xf32>
    %mul3A_714 = arith.constant 5.000000e-01 : f32
    %mul3A_715 = vector.broadcast %mul3A_714 : f32 to vector<1024x128xf32>
    %mul3A_716 = arith.mulf %add3A_713, %mul3A_715 : vector<1024x128xf32>
    %mul3A_717 = arith.mulf %mul3A_716, %mul3A_716 : vector<1024x128xf32>
    %reduce_sum3A_718 = arith.constant dense<0.000000e+00> : vector<1024xf32>
    %reduce_sum3A_719 = vector.multi_reduction <add>, %mul3A_717, %reduce_sum3A_718 [1] : vector<1024x128xf32> to vector<1024xf32>
    %broadcast_in_dim3A_720 = vector.shape_cast %reduce_sum3A_719 : vector<1024xf32> to vector<1024x1xf32>
    %sqrt3A_721 = math.sqrt %broadcast_in_dim3A_720 : vector<1024x1xf32>
    %max3A_722 = arith.constant 9.99999996E-13 : f32
    %max3A_723 = vector.broadcast %max3A_722 : f32 to vector<1024x1xf32>
    %max3A_724 = arith.maximumf %sqrt3A_721, %max3A_723 : vector<1024x1xf32>
    %div3A_725 = vector.broadcast %max3A_724 : vector<1024x1xf32> to vector<1024x128xf32>
    %div3A_726 = arith.divf %mul3A_716, %div3A_725 : vector<1024x128xf32>
    %swap3A_727 = arith.constant 6144 : index
    %swap3A_728 = arith.constant 0 : index
    %swap3A_729 = vector.load %arg6[%swap3A_727, %swap3A_728] : memref<8192x128xf32, #tpu.memory_space<vmem>>, vector<1024x128xf32>
    tpu.vector_store %arg6[%swap3A_727, %swap3A_728], %div3A_726 {strides = array<i32>} : memref<8192x128xf32, #tpu.memory_space<vmem>>, vector<1024x128xf32>,
    %dma_start3A_730 = arith.constant 6144 : i32
    %dma_start3A_731 = arith.constant 0 : i32
    %dma_start3A_732 = tpu.memref_slice %arg3[%dma_start3A_730, %dma_start3A_731] : memref<8192x128xf32, #tpu.memory_space<hbm>> -> memref<1024x128xf32, #tpu.memory_space<hbm>>
    %dma_start3A_733 = arith.constant 6144 : i32
    %dma_start3A_734 = arith.constant 0 : i32
    %dma_start3A_735 = tpu.memref_slice %arg6[%dma_start3A_733, %dma_start3A_734] : memref<8192x128xf32, #tpu.memory_space<vmem>> -> memref<1024x128xf32, #tpu.memory_space<vmem>>
    tpu.enqueue_dma source(%dma_start3A_735 : memref<1024x128xf32, #tpu.memory_space<vmem>>) target(%dma_start3A_732 : memref<1024x128xf32, #tpu.memory_space<hbm>>) target_semaphore(%arg12 : memref<!tpu.dma_semaphore, #tpu.memory_space<semaphore_mem>>)
    %dma_wait3A_736 = arith.constant 1 : i32
    %dma_wait3A_737 = arith.constant 25000 : i32
    %dma_wait3A_738 = arith.constant 0 : i32
    %dma_wait3A_739 = tpu.memref_slice %arg2[%dma_wait3A_737, %dma_wait3A_738] : memref<100000x128xf32, #tpu.memory_space<hbm>> -> memref<5000x128xf32, #tpu.memory_space<hbm>>
    %dma_wait3A_740 = arith.constant 0 : i32
    %dma_wait3A_741 = arith.constant 0 : i32
    %dma_wait3A_742 = tpu.memref_slice %arg4[%dma_wait3A_736, %dma_wait3A_740, %dma_wait3A_741] : memref<4x5000x128xf32, #tpu.memory_space<vmem>> -> memref<1x5000x128xf32, #tpu.memory_space<vmem>>
    %dma_wait3A_743 = tpu.memref_squeeze %dma_wait3A_742 : memref<1x5000x128xf32, #tpu.memory_space<vmem>> -> memref<5000x128xf32, #tpu.memory_space<vmem>>
    tpu.wait_dma2 semaphore(%arg10 : memref<!tpu.dma_semaphore, #tpu.memory_space<semaphore_mem>>) src(%dma_wait3A_743 : memref<5000x128xf32, #tpu.memory_space<vmem>>) dst(%dma_wait3A_739 : memref<5000x128xf32, #tpu.memory_space<hbm>>)
    %dma_start3A_744 = arith.constant 1 : i32
    %dma_start3A_745 = arith.constant 0 : i32
    %dma_start3A_746 = arith.constant 0 : i32
    %dma_start3A_747 = tpu.memref_slice %arg4[%dma_start3A_744, %dma_start3A_745, %dma_start3A_746] : memref<4x5000x128xf32, #tpu.memory_space<vmem>> -> memref<1x5000x128xf32, #tpu.memory_space<vmem>>
    %dma_start3A_748 = tpu.memref_squeeze %dma_start3A_747 : memref<1x5000x128xf32, #tpu.memory_space<vmem>> -> memref<5000x128xf32, #tpu.memory_space<vmem>>
    %dma_start3A_749 = arith.constant 45000 : i32
    %dma_start3A_750 = arith.constant 0 : i32
    %dma_start3A_751 = tpu.memref_slice %arg0[%dma_start3A_749, %dma_start3A_750] : memref<100000x128xf32, #tpu.memory_space<hbm>> -> memref<5000x128xf32, #tpu.memory_space<hbm>>
    tpu.enqueue_dma source(%dma_start3A_751 : memref<5000x128xf32, #tpu.memory_space<hbm>>) target(%dma_start3A_748 : memref<5000x128xf32, #tpu.memory_space<vmem>>) target_semaphore(%arg8 : memref<!tpu.dma_semaphore, #tpu.memory_space<semaphore_mem>>)
    %dma_wait3A_752 = arith.constant 3 : i32
    %dma_wait3A_753 = arith.constant 0 : i32
    %dma_wait3A_754 = arith.constant 0 : i32
    %dma_wait3A_755 = tpu.memref_slice %arg4[%dma_wait3A_752, %dma_wait3A_753, %dma_wait3A_754] : memref<4x5000x128xf32, #tpu.memory_space<vmem>> -> memref<1x5000x128xf32, #tpu.memory_space<vmem>>
    %dma_wait3A_756 = tpu.memref_squeeze %dma_wait3A_755 : memref<1x5000x128xf32, #tpu.memory_space<vmem>> -> memref<5000x128xf32, #tpu.memory_space<vmem>>
    %dma_wait3A_757 = arith.constant 35000 : i32
    %dma_wait3A_758 = arith.constant 0 : i32
    %dma_wait3A_759 = tpu.memref_slice %arg0[%dma_wait3A_757, %dma_wait3A_758] : memref<100000x128xf32, #tpu.memory_space<hbm>> -> memref<5000x128xf32, #tpu.memory_space<hbm>>
    tpu.wait_dma2 semaphore(%arg8 : memref<!tpu.dma_semaphore, #tpu.memory_space<semaphore_mem>>) src(%dma_wait3A_759 : memref<5000x128xf32, #tpu.memory_space<hbm>>) dst(%dma_wait3A_756 : memref<5000x128xf32, #tpu.memory_space<vmem>>)
    %dma_start3A_760 = arith.constant 3 : i32
    %dma_start3A_761 = arith.constant 35000 : i32
    %dma_start3A_762 = arith.constant 0 : i32
    %dma_start3A_763 = tpu.memref_slice %arg2[%dma_start3A_761, %dma_start3A_762] : memref<100000x128xf32, #tpu.memory_space<hbm>> -> memref<5000x128xf32, #tpu.memory_space<hbm>>
    %dma_start3A_764 = arith.constant 0 : i32
    %dma_start3A_765 = arith.constant 0 : i32
    %dma_start3A_766 = tpu.memref_slice %arg4[%dma_start3A_760, %dma_start3A_764, %dma_start3A_765] : memref<4x5000x128xf32, #tpu.memory_space<vmem>> -> memref<1x5000x128xf32, #tpu.memory_space<vmem>>
    %dma_start3A_767 = tpu.memref_squeeze %dma_start3A_766 : memref<1x5000x128xf32, #tpu.memory_space<vmem>> -> memref<5000x128xf32, #tpu.memory_space<vmem>>
    tpu.enqueue_dma source(%dma_start3A_767 : memref<5000x128xf32, #tpu.memory_space<vmem>>) target(%dma_start3A_763 : memref<5000x128xf32, #tpu.memory_space<hbm>>) target_semaphore(%arg10 : memref<!tpu.dma_semaphore, #tpu.memory_space<semaphore_mem>>)
    %dma_wait3A_768 = arith.constant 7168 : i32
    %dma_wait3A_769 = arith.constant 0 : i32
    %dma_wait3A_770 = tpu.memref_slice %arg5[%dma_wait3A_768, %dma_wait3A_769] : memref<16384x128xf32, #tpu.memory_space<vmem>> -> memref<1024x128xf32, #tpu.memory_space<vmem>>
    %dma_wait3A_771 = arith.constant 7168 : i32
    %dma_wait3A_772 = arith.constant 0 : i32
    %dma_wait3A_773 = tpu.memref_slice %arg1[%dma_wait3A_771, %dma_wait3A_772] : memref<16384x128xf32, #tpu.memory_space<hbm>> -> memref<1024x128xf32, #tpu.memory_space<hbm>>
    tpu.wait_dma2 semaphore(%arg11 : memref<!tpu.dma_semaphore, #tpu.memory_space<semaphore_mem>>) src(%dma_wait3A_773 : memref<1024x128xf32, #tpu.memory_space<hbm>>) dst(%dma_wait3A_770 : memref<1024x128xf32, #tpu.memory_space<vmem>>)
    %dma_wait3A_774 = arith.constant 15360 : i32
    %dma_wait3A_775 = arith.constant 0 : i32
    %dma_wait3A_776 = tpu.memref_slice %arg5[%dma_wait3A_774, %dma_wait3A_775] : memref<16384x128xf32, #tpu.memory_space<vmem>> -> memref<1024x128xf32, #tpu.memory_space<vmem>>
    %dma_wait3A_777 = arith.constant 15360 : i32
    %dma_wait3A_778 = arith.constant 0 : i32
    %dma_wait3A_779 = tpu.memref_slice %arg1[%dma_wait3A_777, %dma_wait3A_778] : memref<16384x128xf32, #tpu.memory_space<hbm>> -> memref<1024x128xf32, #tpu.memory_space<hbm>>
    tpu.wait_dma2 semaphore(%arg11 : memref<!tpu.dma_semaphore, #tpu.memory_space<semaphore_mem>>) src(%dma_wait3A_779 : memref<1024x128xf32, #tpu.memory_space<hbm>>) dst(%dma_wait3A_776 : memref<1024x128xf32, #tpu.memory_space<vmem>>)
    %get3A_780 = arith.constant 7168 : index
    %get3A_781 = arith.constant 0 : index
    %get3A_782 = vector.load %arg5[%get3A_780, %get3A_781] : memref<16384x128xf32, #tpu.memory_space<vmem>>, vector<1024x128xf32>
    %get3A_783 = arith.constant 15360 : index
    %get3A_784 = arith.constant 0 : index
    %get3A_785 = vector.load %arg5[%get3A_783, %get3A_784] : memref<16384x128xf32, #tpu.memory_space<vmem>>, vector<1024x128xf32>
    %mul3A_786 = arith.mulf %get3A_782, %get3A_782 : vector<1024x128xf32>
    %reduce_sum3A_787 = arith.constant dense<0.000000e+00> : vector<1024xf32>
    %reduce_sum3A_788 = vector.multi_reduction <add>, %mul3A_786, %reduce_sum3A_787 [1] : vector<1024x128xf32> to vector<1024xf32>
    %broadcast_in_dim3A_789 = vector.shape_cast %reduce_sum3A_788 : vector<1024xf32> to vector<1024x1xf32>
    %sqrt3A_790 = math.sqrt %broadcast_in_dim3A_789 : vector<1024x1xf32>
    %mul3A_791 = arith.mulf %get3A_785, %get3A_785 : vector<1024x128xf32>
    %reduce_sum3A_792 = arith.constant dense<0.000000e+00> : vector<1024xf32>
    %reduce_sum3A_793 = vector.multi_reduction <add>, %mul3A_791, %reduce_sum3A_792 [1] : vector<1024x128xf32> to vector<1024xf32>
    %broadcast_in_dim3A_794 = vector.shape_cast %reduce_sum3A_793 : vector<1024xf32> to vector<1024x1xf32>
    %sqrt3A_795 = math.sqrt %broadcast_in_dim3A_794 : vector<1024x1xf32>
    %max3A_796 = arith.constant 9.99999996E-13 : f32
    %max3A_797 = vector.broadcast %max3A_796 : f32 to vector<1024x1xf32>
    %max3A_798 = arith.maximumf %sqrt3A_790, %max3A_797 : vector<1024x1xf32>
    %div3A_799 = vector.broadcast %max3A_798 : vector<1024x1xf32> to vector<1024x128xf32>
    %div3A_800 = arith.divf %get3A_782, %div3A_799 : vector<1024x128xf32>
    %max3A_801 = arith.constant 9.99999996E-13 : f32
    %max3A_802 = vector.broadcast %max3A_801 : f32 to vector<1024x1xf32>
    %max3A_803 = arith.maximumf %sqrt3A_795, %max3A_802 : vector<1024x1xf32>
    %div3A_804 = vector.broadcast %max3A_803 : vector<1024x1xf32> to vector<1024x128xf32>
    %div3A_805 = arith.divf %get3A_785, %div3A_804 : vector<1024x128xf32>
    %add3A_806 = arith.addf %div3A_800, %div3A_805 : vector<1024x128xf32>
    %mul3A_807 = arith.constant 5.000000e-01 : f32
    %mul3A_808 = vector.broadcast %mul3A_807 : f32 to vector<1024x128xf32>
    %mul3A_809 = arith.mulf %add3A_806, %mul3A_808 : vector<1024x128xf32>
    %mul3A_810 = arith.mulf %mul3A_809, %mul3A_809 : vector<1024x128xf32>
    %reduce_sum3A_811 = arith.constant dense<0.000000e+00> : vector<1024xf32>
    %reduce_sum3A_812 = vector.multi_reduction <add>, %mul3A_810, %reduce_sum3A_811 [1] : vector<1024x128xf32> to vector<1024xf32>
    %broadcast_in_dim3A_813 = vector.shape_cast %reduce_sum3A_812 : vector<1024xf32> to vector<1024x1xf32>
    %sqrt3A_814 = math.sqrt %broadcast_in_dim3A_813 : vector<1024x1xf32>
    %max3A_815 = arith.constant 9.99999996E-13 : f32
    %max3A_816 = vector.broadcast %max3A_815 : f32 to vector<1024x1xf32>
    %max3A_817 = arith.maximumf %sqrt3A_814, %max3A_816 : vector<1024x1xf32>
    %div3A_818 = vector.broadcast %max3A_817 : vector<1024x1xf32> to vector<1024x128xf32>
    %div3A_819 = arith.divf %mul3A_809, %div3A_818 : vector<1024x128xf32>
    %swap3A_820 = arith.constant 7168 : index
    %swap3A_821 = arith.constant 0 : index
    %swap3A_822 = vector.load %arg6[%swap3A_820, %swap3A_821] : memref<8192x128xf32, #tpu.memory_space<vmem>>, vector<1024x128xf32>
    tpu.vector_store %arg6[%swap3A_820, %swap3A_821], %div3A_819 {strides = array<i32>} : memref<8192x128xf32, #tpu.memory_space<vmem>>, vector<1024x128xf32>,
    %dma_start3A_823 = arith.constant 7168 : i32
    %dma_start3A_824 = arith.constant 0 : i32
    %dma_start3A_825 = tpu.memref_slice %arg3[%dma_start3A_823, %dma_start3A_824] : memref<8192x128xf32, #tpu.memory_space<hbm>> -> memref<1024x128xf32, #tpu.memory_space<hbm>>
    %dma_start3A_826 = arith.constant 7168 : i32
    %dma_start3A_827 = arith.constant 0 : i32
    %dma_start3A_828 = tpu.memref_slice %arg6[%dma_start3A_826, %dma_start3A_827] : memref<8192x128xf32, #tpu.memory_space<vmem>> -> memref<1024x128xf32, #tpu.memory_space<vmem>>
    tpu.enqueue_dma source(%dma_start3A_828 : memref<1024x128xf32, #tpu.memory_space<vmem>>) target(%dma_start3A_825 : memref<1024x128xf32, #tpu.memory_space<hbm>>) target_semaphore(%arg12 : memref<!tpu.dma_semaphore, #tpu.memory_space<semaphore_mem>>)
    %dma_wait3A_829 = arith.constant 2 : i32
    %dma_wait3A_830 = arith.constant 30000 : i32
    %dma_wait3A_831 = arith.constant 0 : i32
    %dma_wait3A_832 = tpu.memref_slice %arg2[%dma_wait3A_830, %dma_wait3A_831] : memref<100000x128xf32, #tpu.memory_space<hbm>> -> memref<5000x128xf32, #tpu.memory_space<hbm>>
    %dma_wait3A_833 = arith.constant 0 : i32
    %dma_wait3A_834 = arith.constant 0 : i32
    %dma_wait3A_835 = tpu.memref_slice %arg4[%dma_wait3A_829, %dma_wait3A_833, %dma_wait3A_834] : memref<4x5000x128xf32, #tpu.memory_space<vmem>> -> memref<1x5000x128xf32, #tpu.memory_space<vmem>>
    %dma_wait3A_836 = tpu.memref_squeeze %dma_wait3A_835 : memref<1x5000x128xf32, #tpu.memory_space<vmem>> -> memref<5000x128xf32, #tpu.memory_space<vmem>>
    tpu.wait_dma2 semaphore(%arg9 : memref<!tpu.dma_semaphore, #tpu.memory_space<semaphore_mem>>) src(%dma_wait3A_836 : memref<5000x128xf32, #tpu.memory_space<vmem>>) dst(%dma_wait3A_832 : memref<5000x128xf32, #tpu.memory_space<hbm>>)
    %dma_start3A_837 = arith.constant 2 : i32
    %dma_start3A_838 = arith.constant 0 : i32
    %dma_start3A_839 = arith.constant 0 : i32
    %dma_start3A_840 = tpu.memref_slice %arg4[%dma_start3A_837, %dma_start3A_838, %dma_start3A_839] : memref<4x5000x128xf32, #tpu.memory_space<vmem>> -> memref<1x5000x128xf32, #tpu.memory_space<vmem>>
    %dma_start3A_841 = tpu.memref_squeeze %dma_start3A_840 : memref<1x5000x128xf32, #tpu.memory_space<vmem>> -> memref<5000x128xf32, #tpu.memory_space<vmem>>
    %dma_start3A_842 = arith.constant 50000 : i32
    %dma_start3A_843 = arith.constant 0 : i32
    %dma_start3A_844 = tpu.memref_slice %arg0[%dma_start3A_842, %dma_start3A_843] : memref<100000x128xf32, #tpu.memory_space<hbm>> -> memref<5000x128xf32, #tpu.memory_space<hbm>>
    tpu.enqueue_dma source(%dma_start3A_844 : memref<5000x128xf32, #tpu.memory_space<hbm>>) target(%dma_start3A_841 : memref<5000x128xf32, #tpu.memory_space<vmem>>) target_semaphore(%arg7 : memref<!tpu.dma_semaphore, #tpu.memory_space<semaphore_mem>>)
    %dma_wait3A_845 = arith.constant 0 : i32
    %dma_wait3A_846 = arith.constant 0 : i32
    %dma_wait3A_847 = arith.constant 0 : i32
    %dma_wait3A_848 = tpu.memref_slice %arg4[%dma_wait3A_845, %dma_wait3A_846, %dma_wait3A_847] : memref<4x5000x128xf32, #tpu.memory_space<vmem>> -> memref<1x5000x128xf32, #tpu.memory_space<vmem>>
    %dma_wait3A_849 = tpu.memref_squeeze %dma_wait3A_848 : memref<1x5000x128xf32, #tpu.memory_space<vmem>> -> memref<5000x128xf32, #tpu.memory_space<vmem>>
    %dma_wait3A_850 = arith.constant 40000 : i32
    %dma_wait3A_851 = arith.constant 0 : i32
    %dma_wait3A_852 = tpu.memref_slice %arg0[%dma_wait3A_850, %dma_wait3A_851] : memref<100000x128xf32, #tpu.memory_space<hbm>> -> memref<5000x128xf32, #tpu.memory_space<hbm>>
    tpu.wait_dma2 semaphore(%arg7 : memref<!tpu.dma_semaphore, #tpu.memory_space<semaphore_mem>>) src(%dma_wait3A_852 : memref<5000x128xf32, #tpu.memory_space<hbm>>) dst(%dma_wait3A_849 : memref<5000x128xf32, #tpu.memory_space<vmem>>)
    %dma_start3A_853 = arith.constant 0 : i32
    %dma_start3A_854 = arith.constant 40000 : i32
    %dma_start3A_855 = arith.constant 0 : i32
    %dma_start3A_856 = tpu.memref_slice %arg2[%dma_start3A_854, %dma_start3A_855] : memref<100000x128xf32, #tpu.memory_space<hbm>> -> memref<5000x128xf32, #tpu.memory_space<hbm>>
    %dma_start3A_857 = arith.constant 0 : i32
    %dma_start3A_858 = arith.constant 0 : i32
    %dma_start3A_859 = tpu.memref_slice %arg4[%dma_start3A_853, %dma_start3A_857, %dma_start3A_858] : memref<4x5000x128xf32, #tpu.memory_space<vmem>> -> memref<1x5000x128xf32, #tpu.memory_space<vmem>>
    %dma_start3A_860 = tpu.memref_squeeze %dma_start3A_859 : memref<1x5000x128xf32, #tpu.memory_space<vmem>> -> memref<5000x128xf32, #tpu.memory_space<vmem>>
    tpu.enqueue_dma source(%dma_start3A_860 : memref<5000x128xf32, #tpu.memory_space<vmem>>) target(%dma_start3A_856 : memref<5000x128xf32, #tpu.memory_space<hbm>>) target_semaphore(%arg9 : memref<!tpu.dma_semaphore, #tpu.memory_space<semaphore_mem>>)
    %dma_wait3A_861 = arith.constant 3 : i32
    %dma_wait3A_862 = arith.constant 35000 : i32
    %dma_wait3A_863 = arith.constant 0 : i32
    %dma_wait3A_864 = tpu.memref_slice %arg2[%dma_wait3A_862, %dma_wait3A_863] : memref<100000x128xf32, #tpu.memory_space<hbm>> -> memref<5000x128xf32, #tpu.memory_space<hbm>>
    %dma_wait3A_865 = arith.constant 0 : i32
    %dma_wait3A_866 = arith.constant 0 : i32
    %dma_wait3A_867 = tpu.memref_slice %arg4[%dma_wait3A_861, %dma_wait3A_865, %dma_wait3A_866] : memref<4x5000x128xf32, #tpu.memory_space<vmem>> -> memref<1x5000x128xf32, #tpu.memory_space<vmem>>
    %dma_wait3A_868 = tpu.memref_squeeze %dma_wait3A_867 : memref<1x5000x128xf32, #tpu.memory_space<vmem>> -> memref<5000x128xf32, #tpu.memory_space<vmem>>
    tpu.wait_dma2 semaphore(%arg10 : memref<!tpu.dma_semaphore, #tpu.memory_space<semaphore_mem>>) src(%dma_wait3A_868 : memref<5000x128xf32, #tpu.memory_space<vmem>>) dst(%dma_wait3A_864 : memref<5000x128xf32, #tpu.memory_space<hbm>>)
    %dma_start3A_869 = arith.constant 3 : i32
    %dma_start3A_870 = arith.constant 0 : i32
    %dma_start3A_871 = arith.constant 0 : i32
    %dma_start3A_872 = tpu.memref_slice %arg4[%dma_start3A_869, %dma_start3A_870, %dma_start3A_871] : memref<4x5000x128xf32, #tpu.memory_space<vmem>> -> memref<1x5000x128xf32, #tpu.memory_space<vmem>>
    %dma_start3A_873 = tpu.memref_squeeze %dma_start3A_872 : memref<1x5000x128xf32, #tpu.memory_space<vmem>> -> memref<5000x128xf32, #tpu.memory_space<vmem>>
    %dma_start3A_874 = arith.constant 55000 : i32
    %dma_start3A_875 = arith.constant 0 : i32
    %dma_start3A_876 = tpu.memref_slice %arg0[%dma_start3A_874, %dma_start3A_875] : memref<100000x128xf32, #tpu.memory_space<hbm>> -> memref<5000x128xf32, #tpu.memory_space<hbm>>
    tpu.enqueue_dma source(%dma_start3A_876 : memref<5000x128xf32, #tpu.memory_space<hbm>>) target(%dma_start3A_873 : memref<5000x128xf32, #tpu.memory_space<vmem>>) target_semaphore(%arg8 : memref<!tpu.dma_semaphore, #tpu.memory_space<semaphore_mem>>)
    %dma_wait3A_877 = arith.constant 1 : i32
    %dma_wait3A_878 = arith.constant 0 : i32
    %dma_wait3A_879 = arith.constant 0 : i32
    %dma_wait3A_880 = tpu.memref_slice %arg4[%dma_wait3A_877, %dma_wait3A_878, %dma_wait3A_879] : memref<4x5000x128xf32, #tpu.memory_space<vmem>> -> memref<1x5000x128xf32, #tpu.memory_space<vmem>>
    %dma_wait3A_881 = tpu.memref_squeeze %dma_wait3A_880 : memref<1x5000x128xf32, #tpu.memory_space<vmem>> -> memref<5000x128xf32, #tpu.memory_space<vmem>>
    %dma_wait3A_882 = arith.constant 45000 : i32
    %dma_wait3A_883 = arith.constant 0 : i32
    %dma_wait3A_884 = tpu.memref_slice %arg0[%dma_wait3A_882, %dma_wait3A_883] : memref<100000x128xf32, #tpu.memory_space<hbm>> -> memref<5000x128xf32, #tpu.memory_space<hbm>>
    tpu.wait_dma2 semaphore(%arg8 : memref<!tpu.dma_semaphore, #tpu.memory_space<semaphore_mem>>) src(%dma_wait3A_884 : memref<5000x128xf32, #tpu.memory_space<hbm>>) dst(%dma_wait3A_881 : memref<5000x128xf32, #tpu.memory_space<vmem>>)
    %dma_start3A_885 = arith.constant 1 : i32
    %dma_start3A_886 = arith.constant 45000 : i32
    %dma_start3A_887 = arith.constant 0 : i32
    %dma_start3A_888 = tpu.memref_slice %arg2[%dma_start3A_886, %dma_start3A_887] : memref<100000x128xf32, #tpu.memory_space<hbm>> -> memref<5000x128xf32, #tpu.memory_space<hbm>>
    %dma_start3A_889 = arith.constant 0 : i32
    %dma_start3A_890 = arith.constant 0 : i32
    %dma_start3A_891 = tpu.memref_slice %arg4[%dma_start3A_885, %dma_start3A_889, %dma_start3A_890] : memref<4x5000x128xf32, #tpu.memory_space<vmem>> -> memref<1x5000x128xf32, #tpu.memory_space<vmem>>
    %dma_start3A_892 = tpu.memref_squeeze %dma_start3A_891 : memref<1x5000x128xf32, #tpu.memory_space<vmem>> -> memref<5000x128xf32, #tpu.memory_space<vmem>>
    tpu.enqueue_dma source(%dma_start3A_892 : memref<5000x128xf32, #tpu.memory_space<vmem>>) target(%dma_start3A_888 : memref<5000x128xf32, #tpu.memory_space<hbm>>) target_semaphore(%arg10 : memref<!tpu.dma_semaphore, #tpu.memory_space<semaphore_mem>>)
    %dma_wait3A_893 = arith.constant 0 : i32
    %dma_wait3A_894 = arith.constant 40000 : i32
    %dma_wait3A_895 = arith.constant 0 : i32
    %dma_wait3A_896 = tpu.memref_slice %arg2[%dma_wait3A_894, %dma_wait3A_895] : memref<100000x128xf32, #tpu.memory_space<hbm>> -> memref<5000x128xf32, #tpu.memory_space<hbm>>
    %dma_wait3A_897 = arith.constant 0 : i32
    %dma_wait3A_898 = arith.constant 0 : i32
    %dma_wait3A_899 = tpu.memref_slice %arg4[%dma_wait3A_893, %dma_wait3A_897, %dma_wait3A_898] : memref<4x5000x128xf32, #tpu.memory_space<vmem>> -> memref<1x5000x128xf32, #tpu.memory_space<vmem>>
    %dma_wait3A_900 = tpu.memref_squeeze %dma_wait3A_899 : memref<1x5000x128xf32, #tpu.memory_space<vmem>> -> memref<5000x128xf32, #tpu.memory_space<vmem>>
    tpu.wait_dma2 semaphore(%arg9 : memref<!tpu.dma_semaphore, #tpu.memory_space<semaphore_mem>>) src(%dma_wait3A_900 : memref<5000x128xf32, #tpu.memory_space<vmem>>) dst(%dma_wait3A_896 : memref<5000x128xf32, #tpu.memory_space<hbm>>)
    %dma_start3A_901 = arith.constant 0 : i32
    %dma_start3A_902 = arith.constant 0 : i32
    %dma_start3A_903 = arith.constant 0 : i32
    %dma_start3A_904 = tpu.memref_slice %arg4[%dma_start3A_901, %dma_start3A_902, %dma_start3A_903] : memref<4x5000x128xf32, #tpu.memory_space<vmem>> -> memref<1x5000x128xf32, #tpu.memory_space<vmem>>
    %dma_start3A_905 = tpu.memref_squeeze %dma_start3A_904 : memref<1x5000x128xf32, #tpu.memory_space<vmem>> -> memref<5000x128xf32, #tpu.memory_space<vmem>>
    %dma_start3A_906 = arith.constant 60000 : i32
    %dma_start3A_907 = arith.constant 0 : i32
    %dma_start3A_908 = tpu.memref_slice %arg0[%dma_start3A_906, %dma_start3A_907] : memref<100000x128xf32, #tpu.memory_space<hbm>> -> memref<5000x128xf32, #tpu.memory_space<hbm>>
    tpu.enqueue_dma source(%dma_start3A_908 : memref<5000x128xf32, #tpu.memory_space<hbm>>) target(%dma_start3A_905 : memref<5000x128xf32, #tpu.memory_space<vmem>>) target_semaphore(%arg7 : memref<!tpu.dma_semaphore, #tpu.memory_space<semaphore_mem>>)
    %dma_wait3A_909 = arith.constant 2 : i32
    %dma_wait3A_910 = arith.constant 0 : i32
    %dma_wait3A_911 = arith.constant 0 : i32
    %dma_wait3A_912 = tpu.memref_slice %arg4[%dma_wait3A_909, %dma_wait3A_910, %dma_wait3A_911] : memref<4x5000x128xf32, #tpu.memory_space<vmem>> -> memref<1x5000x128xf32, #tpu.memory_space<vmem>>
    %dma_wait3A_913 = tpu.memref_squeeze %dma_wait3A_912 : memref<1x5000x128xf32, #tpu.memory_space<vmem>> -> memref<5000x128xf32, #tpu.memory_space<vmem>>
    %dma_wait3A_914 = arith.constant 50000 : i32
    %dma_wait3A_915 = arith.constant 0 : i32
    %dma_wait3A_916 = tpu.memref_slice %arg0[%dma_wait3A_914, %dma_wait3A_915] : memref<100000x128xf32, #tpu.memory_space<hbm>> -> memref<5000x128xf32, #tpu.memory_space<hbm>>
    tpu.wait_dma2 semaphore(%arg7 : memref<!tpu.dma_semaphore, #tpu.memory_space<semaphore_mem>>) src(%dma_wait3A_916 : memref<5000x128xf32, #tpu.memory_space<hbm>>) dst(%dma_wait3A_913 : memref<5000x128xf32, #tpu.memory_space<vmem>>)
    %dma_start3A_917 = arith.constant 2 : i32
    %dma_start3A_918 = arith.constant 50000 : i32
    %dma_start3A_919 = arith.constant 0 : i32
    %dma_start3A_920 = tpu.memref_slice %arg2[%dma_start3A_918, %dma_start3A_919] : memref<100000x128xf32, #tpu.memory_space<hbm>> -> memref<5000x128xf32, #tpu.memory_space<hbm>>
    %dma_start3A_921 = arith.constant 0 : i32
    %dma_start3A_922 = arith.constant 0 : i32
    %dma_start3A_923 = tpu.memref_slice %arg4[%dma_start3A_917, %dma_start3A_921, %dma_start3A_922] : memref<4x5000x128xf32, #tpu.memory_space<vmem>> -> memref<1x5000x128xf32, #tpu.memory_space<vmem>>
    %dma_start3A_924 = tpu.memref_squeeze %dma_start3A_923 : memref<1x5000x128xf32, #tpu.memory_space<vmem>> -> memref<5000x128xf32, #tpu.memory_space<vmem>>
    tpu.enqueue_dma source(%dma_start3A_924 : memref<5000x128xf32, #tpu.memory_space<vmem>>) target(%dma_start3A_920 : memref<5000x128xf32, #tpu.memory_space<hbm>>) target_semaphore(%arg9 : memref<!tpu.dma_semaphore, #tpu.memory_space<semaphore_mem>>)
    %dma_wait3A_925 = arith.constant 1 : i32
    %dma_wait3A_926 = arith.constant 45000 : i32
    %dma_wait3A_927 = arith.constant 0 : i32
    %dma_wait3A_928 = tpu.memref_slice %arg2[%dma_wait3A_926, %dma_wait3A_927] : memref<100000x128xf32, #tpu.memory_space<hbm>> -> memref<5000x128xf32, #tpu.memory_space<hbm>>
    %dma_wait3A_929 = arith.constant 0 : i32
    %dma_wait3A_930 = arith.constant 0 : i32
    %dma_wait3A_931 = tpu.memref_slice %arg4[%dma_wait3A_925, %dma_wait3A_929, %dma_wait3A_930] : memref<4x5000x128xf32, #tpu.memory_space<vmem>> -> memref<1x5000x128xf32, #tpu.memory_space<vmem>>
    %dma_wait3A_932 = tpu.memref_squeeze %dma_wait3A_931 : memref<1x5000x128xf32, #tpu.memory_space<vmem>> -> memref<5000x128xf32, #tpu.memory_space<vmem>>
    tpu.wait_dma2 semaphore(%arg10 : memref<!tpu.dma_semaphore, #tpu.memory_space<semaphore_mem>>) src(%dma_wait3A_932 : memref<5000x128xf32, #tpu.memory_space<vmem>>) dst(%dma_wait3A_928 : memref<5000x128xf32, #tpu.memory_space<hbm>>)
    %dma_start3A_933 = arith.constant 1 : i32
    %dma_start3A_934 = arith.constant 0 : i32
    %dma_start3A_935 = arith.constant 0 : i32
    %dma_start3A_936 = tpu.memref_slice %arg4[%dma_start3A_933, %dma_start3A_934, %dma_start3A_935] : memref<4x5000x128xf32, #tpu.memory_space<vmem>> -> memref<1x5000x128xf32, #tpu.memory_space<vmem>>
    %dma_start3A_937 = tpu.memref_squeeze %dma_start3A_936 : memref<1x5000x128xf32, #tpu.memory_space<vmem>> -> memref<5000x128xf32, #tpu.memory_space<vmem>>
    %dma_start3A_938 = arith.constant 65000 : i32
    %dma_start3A_939 = arith.constant 0 : i32
    %dma_start3A_940 = tpu.memref_slice %arg0[%dma_start3A_938, %dma_start3A_939] : memref<100000x128xf32, #tpu.memory_space<hbm>> -> memref<5000x128xf32, #tpu.memory_space<hbm>>
    tpu.enqueue_dma source(%dma_start3A_940 : memref<5000x128xf32, #tpu.memory_space<hbm>>) target(%dma_start3A_937 : memref<5000x128xf32, #tpu.memory_space<vmem>>) target_semaphore(%arg8 : memref<!tpu.dma_semaphore, #tpu.memory_space<semaphore_mem>>)
    %dma_wait3A_941 = arith.constant 3 : i32
    %dma_wait3A_942 = arith.constant 0 : i32
    %dma_wait3A_943 = arith.constant 0 : i32
    %dma_wait3A_944 = tpu.memref_slice %arg4[%dma_wait3A_941, %dma_wait3A_942, %dma_wait3A_943] : memref<4x5000x128xf32, #tpu.memory_space<vmem>> -> memref<1x5000x128xf32, #tpu.memory_space<vmem>>
    %dma_wait3A_945 = tpu.memref_squeeze %dma_wait3A_944 : memref<1x5000x128xf32, #tpu.memory_space<vmem>> -> memref<5000x128xf32, #tpu.memory_space<vmem>>
    %dma_wait3A_946 = arith.constant 55000 : i32
    %dma_wait3A_947 = arith.constant 0 : i32
    %dma_wait3A_948 = tpu.memref_slice %arg0[%dma_wait3A_946, %dma_wait3A_947] : memref<100000x128xf32, #tpu.memory_space<hbm>> -> memref<5000x128xf32, #tpu.memory_space<hbm>>
    tpu.wait_dma2 semaphore(%arg8 : memref<!tpu.dma_semaphore, #tpu.memory_space<semaphore_mem>>) src(%dma_wait3A_948 : memref<5000x128xf32, #tpu.memory_space<hbm>>) dst(%dma_wait3A_945 : memref<5000x128xf32, #tpu.memory_space<vmem>>)
    %dma_start3A_949 = arith.constant 3 : i32
    %dma_start3A_950 = arith.constant 55000 : i32
    %dma_start3A_951 = arith.constant 0 : i32
    %dma_start3A_952 = tpu.memref_slice %arg2[%dma_start3A_950, %dma_start3A_951] : memref<100000x128xf32, #tpu.memory_space<hbm>> -> memref<5000x128xf32, #tpu.memory_space<hbm>>
    %dma_start3A_953 = arith.constant 0 : i32
    %dma_start3A_954 = arith.constant 0 : i32
    %dma_start3A_955 = tpu.memref_slice %arg4[%dma_start3A_949, %dma_start3A_953, %dma_start3A_954] : memref<4x5000x128xf32, #tpu.memory_space<vmem>> -> memref<1x5000x128xf32, #tpu.memory_space<vmem>>
    %dma_start3A_956 = tpu.memref_squeeze %dma_start3A_955 : memref<1x5000x128xf32, #tpu.memory_space<vmem>> -> memref<5000x128xf32, #tpu.memory_space<vmem>>
    tpu.enqueue_dma source(%dma_start3A_956 : memref<5000x128xf32, #tpu.memory_space<vmem>>) target(%dma_start3A_952 : memref<5000x128xf32, #tpu.memory_space<hbm>>) target_semaphore(%arg10 : memref<!tpu.dma_semaphore, #tpu.memory_space<semaphore_mem>>)
    %dma_wait3A_957 = arith.constant 2 : i32
    %dma_wait3A_958 = arith.constant 50000 : i32
    %dma_wait3A_959 = arith.constant 0 : i32
    %dma_wait3A_960 = tpu.memref_slice %arg2[%dma_wait3A_958, %dma_wait3A_959] : memref<100000x128xf32, #tpu.memory_space<hbm>> -> memref<5000x128xf32, #tpu.memory_space<hbm>>
    %dma_wait3A_961 = arith.constant 0 : i32
    %dma_wait3A_962 = arith.constant 0 : i32
    %dma_wait3A_963 = tpu.memref_slice %arg4[%dma_wait3A_957, %dma_wait3A_961, %dma_wait3A_962] : memref<4x5000x128xf32, #tpu.memory_space<vmem>> -> memref<1x5000x128xf32, #tpu.memory_space<vmem>>
    %dma_wait3A_964 = tpu.memref_squeeze %dma_wait3A_963 : memref<1x5000x128xf32, #tpu.memory_space<vmem>> -> memref<5000x128xf32, #tpu.memory_space<vmem>>
    tpu.wait_dma2 semaphore(%arg9 : memref<!tpu.dma_semaphore, #tpu.memory_space<semaphore_mem>>) src(%dma_wait3A_964 : memref<5000x128xf32, #tpu.memory_space<vmem>>) dst(%dma_wait3A_960 : memref<5000x128xf32, #tpu.memory_space<hbm>>)
    %dma_start3A_965 = arith.constant 2 : i32
    %dma_start3A_966 = arith.constant 0 : i32
    %dma_start3A_967 = arith.constant 0 : i32
    %dma_start3A_968 = tpu.memref_slice %arg4[%dma_start3A_965, %dma_start3A_966, %dma_start3A_967] : memref<4x5000x128xf32, #tpu.memory_space<vmem>> -> memref<1x5000x128xf32, #tpu.memory_space<vmem>>
    %dma_start3A_969 = tpu.memref_squeeze %dma_start3A_968 : memref<1x5000x128xf32, #tpu.memory_space<vmem>> -> memref<5000x128xf32, #tpu.memory_space<vmem>>
    %dma_start3A_970 = arith.constant 70000 : i32
    %dma_start3A_971 = arith.constant 0 : i32
    %dma_start3A_972 = tpu.memref_slice %arg0[%dma_start3A_970, %dma_start3A_971] : memref<100000x128xf32, #tpu.memory_space<hbm>> -> memref<5000x128xf32, #tpu.memory_space<hbm>>
    tpu.enqueue_dma source(%dma_start3A_972 : memref<5000x128xf32, #tpu.memory_space<hbm>>) target(%dma_start3A_969 : memref<5000x128xf32, #tpu.memory_space<vmem>>) target_semaphore(%arg7 : memref<!tpu.dma_semaphore, #tpu.memory_space<semaphore_mem>>)
    %dma_wait3A_973 = arith.constant 0 : i32
    %dma_wait3A_974 = arith.constant 0 : i32
    %dma_wait3A_975 = arith.constant 0 : i32
    %dma_wait3A_976 = tpu.memref_slice %arg4[%dma_wait3A_973, %dma_wait3A_974, %dma_wait3A_975] : memref<4x5000x128xf32, #tpu.memory_space<vmem>> -> memref<1x5000x128xf32, #tpu.memory_space<vmem>>
    %dma_wait3A_977 = tpu.memref_squeeze %dma_wait3A_976 : memref<1x5000x128xf32, #tpu.memory_space<vmem>> -> memref<5000x128xf32, #tpu.memory_space<vmem>>
    %dma_wait3A_978 = arith.constant 60000 : i32
    %dma_wait3A_979 = arith.constant 0 : i32
    %dma_wait3A_980 = tpu.memref_slice %arg0[%dma_wait3A_978, %dma_wait3A_979] : memref<100000x128xf32, #tpu.memory_space<hbm>> -> memref<5000x128xf32, #tpu.memory_space<hbm>>
    tpu.wait_dma2 semaphore(%arg7 : memref<!tpu.dma_semaphore, #tpu.memory_space<semaphore_mem>>) src(%dma_wait3A_980 : memref<5000x128xf32, #tpu.memory_space<hbm>>) dst(%dma_wait3A_977 : memref<5000x128xf32, #tpu.memory_space<vmem>>)
    %dma_start3A_981 = arith.constant 0 : i32
    %dma_start3A_982 = arith.constant 60000 : i32
    %dma_start3A_983 = arith.constant 0 : i32
    %dma_start3A_984 = tpu.memref_slice %arg2[%dma_start3A_982, %dma_start3A_983] : memref<100000x128xf32, #tpu.memory_space<hbm>> -> memref<5000x128xf32, #tpu.memory_space<hbm>>
    %dma_start3A_985 = arith.constant 0 : i32
    %dma_start3A_986 = arith.constant 0 : i32
    %dma_start3A_987 = tpu.memref_slice %arg4[%dma_start3A_981, %dma_start3A_985, %dma_start3A_986] : memref<4x5000x128xf32, #tpu.memory_space<vmem>> -> memref<1x5000x128xf32, #tpu.memory_space<vmem>>
    %dma_start3A_988 = tpu.memref_squeeze %dma_start3A_987 : memref<1x5000x128xf32, #tpu.memory_space<vmem>> -> memref<5000x128xf32, #tpu.memory_space<vmem>>
    tpu.enqueue_dma source(%dma_start3A_988 : memref<5000x128xf32, #tpu.memory_space<vmem>>) target(%dma_start3A_984 : memref<5000x128xf32, #tpu.memory_space<hbm>>) target_semaphore(%arg9 : memref<!tpu.dma_semaphore, #tpu.memory_space<semaphore_mem>>)
    %dma_wait3A_989 = arith.constant 3 : i32
    %dma_wait3A_990 = arith.constant 55000 : i32
    %dma_wait3A_991 = arith.constant 0 : i32
    %dma_wait3A_992 = tpu.memref_slice %arg2[%dma_wait3A_990, %dma_wait3A_991] : memref<100000x128xf32, #tpu.memory_space<hbm>> -> memref<5000x128xf32, #tpu.memory_space<hbm>>
    %dma_wait3A_993 = arith.constant 0 : i32
    %dma_wait3A_994 = arith.constant 0 : i32
    %dma_wait3A_995 = tpu.memref_slice %arg4[%dma_wait3A_989, %dma_wait3A_993, %dma_wait3A_994] : memref<4x5000x128xf32, #tpu.memory_space<vmem>> -> memref<1x5000x128xf32, #tpu.memory_space<vmem>>
    %dma_wait3A_996 = tpu.memref_squeeze %dma_wait3A_995 : memref<1x5000x128xf32, #tpu.memory_space<vmem>> -> memref<5000x128xf32, #tpu.memory_space<vmem>>
    tpu.wait_dma2 semaphore(%arg10 : memref<!tpu.dma_semaphore, #tpu.memory_space<semaphore_mem>>) src(%dma_wait3A_996 : memref<5000x128xf32, #tpu.memory_space<vmem>>) dst(%dma_wait3A_992 : memref<5000x128xf32, #tpu.memory_space<hbm>>)
    %dma_start3A_997 = arith.constant 3 : i32
    %dma_start3A_998 = arith.constant 0 : i32
    %dma_start3A_999 = arith.constant 0 : i32
    %dma_start3A_1000 = tpu.memref_slice %arg4[%dma_start3A_997, %dma_start3A_998, %dma_start3A_999] : memref<4x5000x128xf32, #tpu.memory_space<vmem>> -> memref<1x5000x128xf32, #tpu.memory_space<vmem>>
    %dma_start3A_1001 = tpu.memref_squeeze %dma_start3A_1000 : memref<1x5000x128xf32, #tpu.memory_space<vmem>> -> memref<5000x128xf32, #tpu.memory_space<vmem>>
    %dma_start3A_1002 = arith.constant 75000 : i32
    %dma_start3A_1003 = arith.constant 0 : i32
    %dma_start3A_1004 = tpu.memref_slice %arg0[%dma_start3A_1002, %dma_start3A_1003] : memref<100000x128xf32, #tpu.memory_space<hbm>> -> memref<5000x128xf32, #tpu.memory_space<hbm>>
    tpu.enqueue_dma source(%dma_start3A_1004 : memref<5000x128xf32, #tpu.memory_space<hbm>>) target(%dma_start3A_1001 : memref<5000x128xf32, #tpu.memory_space<vmem>>) target_semaphore(%arg8 : memref<!tpu.dma_semaphore, #tpu.memory_space<semaphore_mem>>)
    %dma_wait3A_1005 = arith.constant 1 : i32
    %dma_wait3A_1006 = arith.constant 0 : i32
    %dma_wait3A_1007 = arith.constant 0 : i32
    %dma_wait3A_1008 = tpu.memref_slice %arg4[%dma_wait3A_1005, %dma_wait3A_1006, %dma_wait3A_1007] : memref<4x5000x128xf32, #tpu.memory_space<vmem>> -> memref<1x5000x128xf32, #tpu.memory_space<vmem>>
    %dma_wait3A_1009 = tpu.memref_squeeze %dma_wait3A_1008 : memref<1x5000x128xf32, #tpu.memory_space<vmem>> -> memref<5000x128xf32, #tpu.memory_space<vmem>>
    %dma_wait3A_1010 = arith.constant 65000 : i32
    %dma_wait3A_1011 = arith.constant 0 : i32
    %dma_wait3A_1012 = tpu.memref_slice %arg0[%dma_wait3A_1010, %dma_wait3A_1011] : memref<100000x128xf32, #tpu.memory_space<hbm>> -> memref<5000x128xf32, #tpu.memory_space<hbm>>
    tpu.wait_dma2 semaphore(%arg8 : memref<!tpu.dma_semaphore, #tpu.memory_space<semaphore_mem>>) src(%dma_wait3A_1012 : memref<5000x128xf32, #tpu.memory_space<hbm>>) dst(%dma_wait3A_1009 : memref<5000x128xf32, #tpu.memory_space<vmem>>)
    %dma_start3A_1013 = arith.constant 1 : i32
    %dma_start3A_1014 = arith.constant 65000 : i32
    %dma_start3A_1015 = arith.constant 0 : i32
    %dma_start3A_1016 = tpu.memref_slice %arg2[%dma_start3A_1014, %dma_start3A_1015] : memref<100000x128xf32, #tpu.memory_space<hbm>> -> memref<5000x128xf32, #tpu.memory_space<hbm>>
    %dma_start3A_1017 = arith.constant 0 : i32
    %dma_start3A_1018 = arith.constant 0 : i32
    %dma_start3A_1019 = tpu.memref_slice %arg4[%dma_start3A_1013, %dma_start3A_1017, %dma_start3A_1018] : memref<4x5000x128xf32, #tpu.memory_space<vmem>> -> memref<1x5000x128xf32, #tpu.memory_space<vmem>>
    %dma_start3A_1020 = tpu.memref_squeeze %dma_start3A_1019 : memref<1x5000x128xf32, #tpu.memory_space<vmem>> -> memref<5000x128xf32, #tpu.memory_space<vmem>>
    tpu.enqueue_dma source(%dma_start3A_1020 : memref<5000x128xf32, #tpu.memory_space<vmem>>) target(%dma_start3A_1016 : memref<5000x128xf32, #tpu.memory_space<hbm>>) target_semaphore(%arg10 : memref<!tpu.dma_semaphore, #tpu.memory_space<semaphore_mem>>)
    %dma_wait3A_1021 = arith.constant 0 : i32
    %dma_wait3A_1022 = arith.constant 60000 : i32
    %dma_wait3A_1023 = arith.constant 0 : i32
    %dma_wait3A_1024 = tpu.memref_slice %arg2[%dma_wait3A_1022, %dma_wait3A_1023] : memref<100000x128xf32, #tpu.memory_space<hbm>> -> memref<5000x128xf32, #tpu.memory_space<hbm>>
    %dma_wait3A_1025 = arith.constant 0 : i32
    %dma_wait3A_1026 = arith.constant 0 : i32
    %dma_wait3A_1027 = tpu.memref_slice %arg4[%dma_wait3A_1021, %dma_wait3A_1025, %dma_wait3A_1026] : memref<4x5000x128xf32, #tpu.memory_space<vmem>> -> memref<1x5000x128xf32, #tpu.memory_space<vmem>>
    %dma_wait3A_1028 = tpu.memref_squeeze %dma_wait3A_1027 : memref<1x5000x128xf32, #tpu.memory_space<vmem>> -> memref<5000x128xf32, #tpu.memory_space<vmem>>
    tpu.wait_dma2 semaphore(%arg9 : memref<!tpu.dma_semaphore, #tpu.memory_space<semaphore_mem>>) src(%dma_wait3A_1028 : memref<5000x128xf32, #tpu.memory_space<vmem>>) dst(%dma_wait3A_1024 : memref<5000x128xf32, #tpu.memory_space<hbm>>)
    %dma_start3A_1029 = arith.constant 0 : i32
    %dma_start3A_1030 = arith.constant 0 : i32
    %dma_start3A_1031 = arith.constant 0 : i32
    %dma_start3A_1032 = tpu.memref_slice %arg4[%dma_start3A_1029, %dma_start3A_1030, %dma_start3A_1031] : memref<4x5000x128xf32, #tpu.memory_space<vmem>> -> memref<1x5000x128xf32, #tpu.memory_space<vmem>>
    %dma_start3A_1033 = tpu.memref_squeeze %dma_start3A_1032 : memref<1x5000x128xf32, #tpu.memory_space<vmem>> -> memref<5000x128xf32, #tpu.memory_space<vmem>>
    %dma_start3A_1034 = arith.constant 80000 : i32
    %dma_start3A_1035 = arith.constant 0 : i32
    %dma_start3A_1036 = tpu.memref_slice %arg0[%dma_start3A_1034, %dma_start3A_1035] : memref<100000x128xf32, #tpu.memory_space<hbm>> -> memref<5000x128xf32, #tpu.memory_space<hbm>>
    tpu.enqueue_dma source(%dma_start3A_1036 : memref<5000x128xf32, #tpu.memory_space<hbm>>) target(%dma_start3A_1033 : memref<5000x128xf32, #tpu.memory_space<vmem>>) target_semaphore(%arg7 : memref<!tpu.dma_semaphore, #tpu.memory_space<semaphore_mem>>)
    %dma_wait3A_1037 = arith.constant 2 : i32
    %dma_wait3A_1038 = arith.constant 0 : i32
    %dma_wait3A_1039 = arith.constant 0 : i32
    %dma_wait3A_1040 = tpu.memref_slice %arg4[%dma_wait3A_1037, %dma_wait3A_1038, %dma_wait3A_1039] : memref<4x5000x128xf32, #tpu.memory_space<vmem>> -> memref<1x5000x128xf32, #tpu.memory_space<vmem>>
    %dma_wait3A_1041 = tpu.memref_squeeze %dma_wait3A_1040 : memref<1x5000x128xf32, #tpu.memory_space<vmem>> -> memref<5000x128xf32, #tpu.memory_space<vmem>>
    %dma_wait3A_1042 = arith.constant 70000 : i32
    %dma_wait3A_1043 = arith.constant 0 : i32
    %dma_wait3A_1044 = tpu.memref_slice %arg0[%dma_wait3A_1042, %dma_wait3A_1043] : memref<100000x128xf32, #tpu.memory_space<hbm>> -> memref<5000x128xf32, #tpu.memory_space<hbm>>
    tpu.wait_dma2 semaphore(%arg7 : memref<!tpu.dma_semaphore, #tpu.memory_space<semaphore_mem>>) src(%dma_wait3A_1044 : memref<5000x128xf32, #tpu.memory_space<hbm>>) dst(%dma_wait3A_1041 : memref<5000x128xf32, #tpu.memory_space<vmem>>)
    %dma_start3A_1045 = arith.constant 2 : i32
    %dma_start3A_1046 = arith.constant 70000 : i32
    %dma_start3A_1047 = arith.constant 0 : i32
    %dma_start3A_1048 = tpu.memref_slice %arg2[%dma_start3A_1046, %dma_start3A_1047] : memref<100000x128xf32, #tpu.memory_space<hbm>> -> memref<5000x128xf32, #tpu.memory_space<hbm>>
    %dma_start3A_1049 = arith.constant 0 : i32
    %dma_start3A_1050 = arith.constant 0 : i32
    %dma_start3A_1051 = tpu.memref_slice %arg4[%dma_start3A_1045, %dma_start3A_1049, %dma_start3A_1050] : memref<4x5000x128xf32, #tpu.memory_space<vmem>> -> memref<1x5000x128xf32, #tpu.memory_space<vmem>>
    %dma_start3A_1052 = tpu.memref_squeeze %dma_start3A_1051 : memref<1x5000x128xf32, #tpu.memory_space<vmem>> -> memref<5000x128xf32, #tpu.memory_space<vmem>>
    tpu.enqueue_dma source(%dma_start3A_1052 : memref<5000x128xf32, #tpu.memory_space<vmem>>) target(%dma_start3A_1048 : memref<5000x128xf32, #tpu.memory_space<hbm>>) target_semaphore(%arg9 : memref<!tpu.dma_semaphore, #tpu.memory_space<semaphore_mem>>)
    %dma_wait3A_1053 = arith.constant 1 : i32
    %dma_wait3A_1054 = arith.constant 65000 : i32
    %dma_wait3A_1055 = arith.constant 0 : i32
    %dma_wait3A_1056 = tpu.memref_slice %arg2[%dma_wait3A_1054, %dma_wait3A_1055] : memref<100000x128xf32, #tpu.memory_space<hbm>> -> memref<5000x128xf32, #tpu.memory_space<hbm>>
    %dma_wait3A_1057 = arith.constant 0 : i32
    %dma_wait3A_1058 = arith.constant 0 : i32
    %dma_wait3A_1059 = tpu.memref_slice %arg4[%dma_wait3A_1053, %dma_wait3A_1057, %dma_wait3A_1058] : memref<4x5000x128xf32, #tpu.memory_space<vmem>> -> memref<1x5000x128xf32, #tpu.memory_space<vmem>>
    %dma_wait3A_1060 = tpu.memref_squeeze %dma_wait3A_1059 : memref<1x5000x128xf32, #tpu.memory_space<vmem>> -> memref<5000x128xf32, #tpu.memory_space<vmem>>
    tpu.wait_dma2 semaphore(%arg10 : memref<!tpu.dma_semaphore, #tpu.memory_space<semaphore_mem>>) src(%dma_wait3A_1060 : memref<5000x128xf32, #tpu.memory_space<vmem>>) dst(%dma_wait3A_1056 : memref<5000x128xf32, #tpu.memory_space<hbm>>)
    %dma_start3A_1061 = arith.constant 1 : i32
    %dma_start3A_1062 = arith.constant 0 : i32
    %dma_start3A_1063 = arith.constant 0 : i32
    %dma_start3A_1064 = tpu.memref_slice %arg4[%dma_start3A_1061, %dma_start3A_1062, %dma_start3A_1063] : memref<4x5000x128xf32, #tpu.memory_space<vmem>> -> memref<1x5000x128xf32, #tpu.memory_space<vmem>>
    %dma_start3A_1065 = tpu.memref_squeeze %dma_start3A_1064 : memref<1x5000x128xf32, #tpu.memory_space<vmem>> -> memref<5000x128xf32, #tpu.memory_space<vmem>>
    %dma_start3A_1066 = arith.constant 85000 : i32
    %dma_start3A_1067 = arith.constant 0 : i32
    %dma_start3A_1068 = tpu.memref_slice %arg0[%dma_start3A_1066, %dma_start3A_1067] : memref<100000x128xf32, #tpu.memory_space<hbm>> -> memref<5000x128xf32, #tpu.memory_space<hbm>>
    tpu.enqueue_dma source(%dma_start3A_1068 : memref<5000x128xf32, #tpu.memory_space<hbm>>) target(%dma_start3A_1065 : memref<5000x128xf32, #tpu.memory_space<vmem>>) target_semaphore(%arg8 : memref<!tpu.dma_semaphore, #tpu.memory_space<semaphore_mem>>)
    %dma_wait3A_1069 = arith.constant 3 : i32
    %dma_wait3A_1070 = arith.constant 0 : i32
    %dma_wait3A_1071 = arith.constant 0 : i32
    %dma_wait3A_1072 = tpu.memref_slice %arg4[%dma_wait3A_1069, %dma_wait3A_1070, %dma_wait3A_1071] : memref<4x5000x128xf32, #tpu.memory_space<vmem>> -> memref<1x5000x128xf32, #tpu.memory_space<vmem>>
    %dma_wait3A_1073 = tpu.memref_squeeze %dma_wait3A_1072 : memref<1x5000x128xf32, #tpu.memory_space<vmem>> -> memref<5000x128xf32, #tpu.memory_space<vmem>>
    %dma_wait3A_1074 = arith.constant 75000 : i32
    %dma_wait3A_1075 = arith.constant 0 : i32
    %dma_wait3A_1076 = tpu.memref_slice %arg0[%dma_wait3A_1074, %dma_wait3A_1075] : memref<100000x128xf32, #tpu.memory_space<hbm>> -> memref<5000x128xf32, #tpu.memory_space<hbm>>
    tpu.wait_dma2 semaphore(%arg8 : memref<!tpu.dma_semaphore, #tpu.memory_space<semaphore_mem>>) src(%dma_wait3A_1076 : memref<5000x128xf32, #tpu.memory_space<hbm>>) dst(%dma_wait3A_1073 : memref<5000x128xf32, #tpu.memory_space<vmem>>)
    %dma_start3A_1077 = arith.constant 3 : i32
    %dma_start3A_1078 = arith.constant 75000 : i32
    %dma_start3A_1079 = arith.constant 0 : i32
    %dma_start3A_1080 = tpu.memref_slice %arg2[%dma_start3A_1078, %dma_start3A_1079] : memref<100000x128xf32, #tpu.memory_space<hbm>> -> memref<5000x128xf32, #tpu.memory_space<hbm>>
    %dma_start3A_1081 = arith.constant 0 : i32
    %dma_start3A_1082 = arith.constant 0 : i32
    %dma_start3A_1083 = tpu.memref_slice %arg4[%dma_start3A_1077, %dma_start3A_1081, %dma_start3A_1082] : memref<4x5000x128xf32, #tpu.memory_space<vmem>> -> memref<1x5000x128xf32, #tpu.memory_space<vmem>>
    %dma_start3A_1084 = tpu.memref_squeeze %dma_start3A_1083 : memref<1x5000x128xf32, #tpu.memory_space<vmem>> -> memref<5000x128xf32, #tpu.memory_space<vmem>>
    tpu.enqueue_dma source(%dma_start3A_1084 : memref<5000x128xf32, #tpu.memory_space<vmem>>) target(%dma_start3A_1080 : memref<5000x128xf32, #tpu.memory_space<hbm>>) target_semaphore(%arg10 : memref<!tpu.dma_semaphore, #tpu.memory_space<semaphore_mem>>)
    %dma_wait3A_1085 = arith.constant 2 : i32
    %dma_wait3A_1086 = arith.constant 70000 : i32
    %dma_wait3A_1087 = arith.constant 0 : i32
    %dma_wait3A_1088 = tpu.memref_slice %arg2[%dma_wait3A_1086, %dma_wait3A_1087] : memref<100000x128xf32, #tpu.memory_space<hbm>> -> memref<5000x128xf32, #tpu.memory_space<hbm>>
    %dma_wait3A_1089 = arith.constant 0 : i32
    %dma_wait3A_1090 = arith.constant 0 : i32
    %dma_wait3A_1091 = tpu.memref_slice %arg4[%dma_wait3A_1085, %dma_wait3A_1089, %dma_wait3A_1090] : memref<4x5000x128xf32, #tpu.memory_space<vmem>> -> memref<1x5000x128xf32, #tpu.memory_space<vmem>>
    %dma_wait3A_1092 = tpu.memref_squeeze %dma_wait3A_1091 : memref<1x5000x128xf32, #tpu.memory_space<vmem>> -> memref<5000x128xf32, #tpu.memory_space<vmem>>
    tpu.wait_dma2 semaphore(%arg9 : memref<!tpu.dma_semaphore, #tpu.memory_space<semaphore_mem>>) src(%dma_wait3A_1092 : memref<5000x128xf32, #tpu.memory_space<vmem>>) dst(%dma_wait3A_1088 : memref<5000x128xf32, #tpu.memory_space<hbm>>)
    %dma_start3A_1093 = arith.constant 2 : i32
    %dma_start3A_1094 = arith.constant 0 : i32
    %dma_start3A_1095 = arith.constant 0 : i32
    %dma_start3A_1096 = tpu.memref_slice %arg4[%dma_start3A_1093, %dma_start3A_1094, %dma_start3A_1095] : memref<4x5000x128xf32, #tpu.memory_space<vmem>> -> memref<1x5000x128xf32, #tpu.memory_space<vmem>>
    %dma_start3A_1097 = tpu.memref_squeeze %dma_start3A_1096 : memref<1x5000x128xf32, #tpu.memory_space<vmem>> -> memref<5000x128xf32, #tpu.memory_space<vmem>>
    %dma_start3A_1098 = arith.constant 90000 : i32
    %dma_start3A_1099 = arith.constant 0 : i32
    %dma_start3A_1100 = tpu.memref_slice %arg0[%dma_start3A_1098, %dma_start3A_1099] : memref<100000x128xf32, #tpu.memory_space<hbm>> -> memref<5000x128xf32, #tpu.memory_space<hbm>>
    tpu.enqueue_dma source(%dma_start3A_1100 : memref<5000x128xf32, #tpu.memory_space<hbm>>) target(%dma_start3A_1097 : memref<5000x128xf32, #tpu.memory_space<vmem>>) target_semaphore(%arg7 : memref<!tpu.dma_semaphore, #tpu.memory_space<semaphore_mem>>)
    %dma_wait3A_1101 = arith.constant 0 : i32
    %dma_wait3A_1102 = arith.constant 0 : i32
    %dma_wait3A_1103 = arith.constant 0 : i32
    %dma_wait3A_1104 = tpu.memref_slice %arg4[%dma_wait3A_1101, %dma_wait3A_1102, %dma_wait3A_1103] : memref<4x5000x128xf32, #tpu.memory_space<vmem>> -> memref<1x5000x128xf32, #tpu.memory_space<vmem>>
    %dma_wait3A_1105 = tpu.memref_squeeze %dma_wait3A_1104 : memref<1x5000x128xf32, #tpu.memory_space<vmem>> -> memref<5000x128xf32, #tpu.memory_space<vmem>>
    %dma_wait3A_1106 = arith.constant 80000 : i32
    %dma_wait3A_1107 = arith.constant 0 : i32
    %dma_wait3A_1108 = tpu.memref_slice %arg0[%dma_wait3A_1106, %dma_wait3A_1107] : memref<100000x128xf32, #tpu.memory_space<hbm>> -> memref<5000x128xf32, #tpu.memory_space<hbm>>
    tpu.wait_dma2 semaphore(%arg7 : memref<!tpu.dma_semaphore, #tpu.memory_space<semaphore_mem>>) src(%dma_wait3A_1108 : memref<5000x128xf32, #tpu.memory_space<hbm>>) dst(%dma_wait3A_1105 : memref<5000x128xf32, #tpu.memory_space<vmem>>)
    %dma_start3A_1109 = arith.constant 0 : i32
    %dma_start3A_1110 = arith.constant 80000 : i32
    %dma_start3A_1111 = arith.constant 0 : i32
    %dma_start3A_1112 = tpu.memref_slice %arg2[%dma_start3A_1110, %dma_start3A_1111] : memref<100000x128xf32, #tpu.memory_space<hbm>> -> memref<5000x128xf32, #tpu.memory_space<hbm>>
    %dma_start3A_1113 = arith.constant 0 : i32
    %dma_start3A_1114 = arith.constant 0 : i32
    %dma_start3A_1115 = tpu.memref_slice %arg4[%dma_start3A_1109, %dma_start3A_1113, %dma_start3A_1114] : memref<4x5000x128xf32, #tpu.memory_space<vmem>> -> memref<1x5000x128xf32, #tpu.memory_space<vmem>>
    %dma_start3A_1116 = tpu.memref_squeeze %dma_start3A_1115 : memref<1x5000x128xf32, #tpu.memory_space<vmem>> -> memref<5000x128xf32, #tpu.memory_space<vmem>>
    tpu.enqueue_dma source(%dma_start3A_1116 : memref<5000x128xf32, #tpu.memory_space<vmem>>) target(%dma_start3A_1112 : memref<5000x128xf32, #tpu.memory_space<hbm>>) target_semaphore(%arg9 : memref<!tpu.dma_semaphore, #tpu.memory_space<semaphore_mem>>)
    %dma_wait3A_1117 = arith.constant 3 : i32
    %dma_wait3A_1118 = arith.constant 75000 : i32
    %dma_wait3A_1119 = arith.constant 0 : i32
    %dma_wait3A_1120 = tpu.memref_slice %arg2[%dma_wait3A_1118, %dma_wait3A_1119] : memref<100000x128xf32, #tpu.memory_space<hbm>> -> memref<5000x128xf32, #tpu.memory_space<hbm>>
    %dma_wait3A_1121 = arith.constant 0 : i32
    %dma_wait3A_1122 = arith.constant 0 : i32
    %dma_wait3A_1123 = tpu.memref_slice %arg4[%dma_wait3A_1117, %dma_wait3A_1121, %dma_wait3A_1122] : memref<4x5000x128xf32, #tpu.memory_space<vmem>> -> memref<1x5000x128xf32, #tpu.memory_space<vmem>>
    %dma_wait3A_1124 = tpu.memref_squeeze %dma_wait3A_1123 : memref<1x5000x128xf32, #tpu.memory_space<vmem>> -> memref<5000x128xf32, #tpu.memory_space<vmem>>
    tpu.wait_dma2 semaphore(%arg10 : memref<!tpu.dma_semaphore, #tpu.memory_space<semaphore_mem>>) src(%dma_wait3A_1124 : memref<5000x128xf32, #tpu.memory_space<vmem>>) dst(%dma_wait3A_1120 : memref<5000x128xf32, #tpu.memory_space<hbm>>)
    %dma_start3A_1125 = arith.constant 3 : i32
    %dma_start3A_1126 = arith.constant 0 : i32
    %dma_start3A_1127 = arith.constant 0 : i32
    %dma_start3A_1128 = tpu.memref_slice %arg4[%dma_start3A_1125, %dma_start3A_1126, %dma_start3A_1127] : memref<4x5000x128xf32, #tpu.memory_space<vmem>> -> memref<1x5000x128xf32, #tpu.memory_space<vmem>>
    %dma_start3A_1129 = tpu.memref_squeeze %dma_start3A_1128 : memref<1x5000x128xf32, #tpu.memory_space<vmem>> -> memref<5000x128xf32, #tpu.memory_space<vmem>>
    %dma_start3A_1130 = arith.constant 95000 : i32
    %dma_start3A_1131 = arith.constant 0 : i32
    %dma_start3A_1132 = tpu.memref_slice %arg0[%dma_start3A_1130, %dma_start3A_1131] : memref<100000x128xf32, #tpu.memory_space<hbm>> -> memref<5000x128xf32, #tpu.memory_space<hbm>>
    tpu.enqueue_dma source(%dma_start3A_1132 : memref<5000x128xf32, #tpu.memory_space<hbm>>) target(%dma_start3A_1129 : memref<5000x128xf32, #tpu.memory_space<vmem>>) target_semaphore(%arg8 : memref<!tpu.dma_semaphore, #tpu.memory_space<semaphore_mem>>)
    %dma_wait3A_1133 = arith.constant 1 : i32
    %dma_wait3A_1134 = arith.constant 0 : i32
    %dma_wait3A_1135 = arith.constant 0 : i32
    %dma_wait3A_1136 = tpu.memref_slice %arg4[%dma_wait3A_1133, %dma_wait3A_1134, %dma_wait3A_1135] : memref<4x5000x128xf32, #tpu.memory_space<vmem>> -> memref<1x5000x128xf32, #tpu.memory_space<vmem>>
    %dma_wait3A_1137 = tpu.memref_squeeze %dma_wait3A_1136 : memref<1x5000x128xf32, #tpu.memory_space<vmem>> -> memref<5000x128xf32, #tpu.memory_space<vmem>>
    %dma_wait3A_1138 = arith.constant 85000 : i32
    %dma_wait3A_1139 = arith.constant 0 : i32
    %dma_wait3A_1140 = tpu.memref_slice %arg0[%dma_wait3A_1138, %dma_wait3A_1139] : memref<100000x128xf32, #tpu.memory_space<hbm>> -> memref<5000x128xf32, #tpu.memory_space<hbm>>
    tpu.wait_dma2 semaphore(%arg8 : memref<!tpu.dma_semaphore, #tpu.memory_space<semaphore_mem>>) src(%dma_wait3A_1140 : memref<5000x128xf32, #tpu.memory_space<hbm>>) dst(%dma_wait3A_1137 : memref<5000x128xf32, #tpu.memory_space<vmem>>)
    %dma_start3A_1141 = arith.constant 1 : i32
    %dma_start3A_1142 = arith.constant 85000 : i32
    %dma_start3A_1143 = arith.constant 0 : i32
    %dma_start3A_1144 = tpu.memref_slice %arg2[%dma_start3A_1142, %dma_start3A_1143] : memref<100000x128xf32, #tpu.memory_space<hbm>> -> memref<5000x128xf32, #tpu.memory_space<hbm>>
    %dma_start3A_1145 = arith.constant 0 : i32
    %dma_start3A_1146 = arith.constant 0 : i32
    %dma_start3A_1147 = tpu.memref_slice %arg4[%dma_start3A_1141, %dma_start3A_1145, %dma_start3A_1146] : memref<4x5000x128xf32, #tpu.memory_space<vmem>> -> memref<1x5000x128xf32, #tpu.memory_space<vmem>>
    %dma_start3A_1148 = tpu.memref_squeeze %dma_start3A_1147 : memref<1x5000x128xf32, #tpu.memory_space<vmem>> -> memref<5000x128xf32, #tpu.memory_space<vmem>>
    tpu.enqueue_dma source(%dma_start3A_1148 : memref<5000x128xf32, #tpu.memory_space<vmem>>) target(%dma_start3A_1144 : memref<5000x128xf32, #tpu.memory_space<hbm>>) target_semaphore(%arg10 : memref<!tpu.dma_semaphore, #tpu.memory_space<semaphore_mem>>)
    %dma_wait3A_1149 = arith.constant 2 : i32
    %dma_wait3A_1150 = arith.constant 0 : i32
    %dma_wait3A_1151 = arith.constant 0 : i32
    %dma_wait3A_1152 = tpu.memref_slice %arg4[%dma_wait3A_1149, %dma_wait3A_1150, %dma_wait3A_1151] : memref<4x5000x128xf32, #tpu.memory_space<vmem>> -> memref<1x5000x128xf32, #tpu.memory_space<vmem>>
    %dma_wait3A_1153 = tpu.memref_squeeze %dma_wait3A_1152 : memref<1x5000x128xf32, #tpu.memory_space<vmem>> -> memref<5000x128xf32, #tpu.memory_space<vmem>>
    %dma_wait3A_1154 = arith.constant 90000 : i32
    %dma_wait3A_1155 = arith.constant 0 : i32
    %dma_wait3A_1156 = tpu.memref_slice %arg0[%dma_wait3A_1154, %dma_wait3A_1155] : memref<100000x128xf32, #tpu.memory_space<hbm>> -> memref<5000x128xf32, #tpu.memory_space<hbm>>
    tpu.wait_dma2 semaphore(%arg7 : memref<!tpu.dma_semaphore, #tpu.memory_space<semaphore_mem>>) src(%dma_wait3A_1156 : memref<5000x128xf32, #tpu.memory_space<hbm>>) dst(%dma_wait3A_1153 : memref<5000x128xf32, #tpu.memory_space<vmem>>)
    %dma_start3A_1157 = arith.constant 2 : i32
    %dma_start3A_1158 = arith.constant 90000 : i32
    %dma_start3A_1159 = arith.constant 0 : i32
    %dma_start3A_1160 = tpu.memref_slice %arg2[%dma_start3A_1158, %dma_start3A_1159] : memref<100000x128xf32, #tpu.memory_space<hbm>> -> memref<5000x128xf32, #tpu.memory_space<hbm>>
    %dma_start3A_1161 = arith.constant 0 : i32
    %dma_start3A_1162 = arith.constant 0 : i32
    %dma_start3A_1163 = tpu.memref_slice %arg4[%dma_start3A_1157, %dma_start3A_1161, %dma_start3A_1162] : memref<4x5000x128xf32, #tpu.memory_space<vmem>> -> memref<1x5000x128xf32, #tpu.memory_space<vmem>>
    %dma_start3A_1164 = tpu.memref_squeeze %dma_start3A_1163 : memref<1x5000x128xf32, #tpu.memory_space<vmem>> -> memref<5000x128xf32, #tpu.memory_space<vmem>>
    tpu.enqueue_dma source(%dma_start3A_1164 : memref<5000x128xf32, #tpu.memory_space<vmem>>) target(%dma_start3A_1160 : memref<5000x128xf32, #tpu.memory_space<hbm>>) target_semaphore(%arg9 : memref<!tpu.dma_semaphore, #tpu.memory_space<semaphore_mem>>)
    %dma_wait3A_1165 = arith.constant 3 : i32
    %dma_wait3A_1166 = arith.constant 0 : i32
    %dma_wait3A_1167 = arith.constant 0 : i32
    %dma_wait3A_1168 = tpu.memref_slice %arg4[%dma_wait3A_1165, %dma_wait3A_1166, %dma_wait3A_1167] : memref<4x5000x128xf32, #tpu.memory_space<vmem>> -> memref<1x5000x128xf32, #tpu.memory_space<vmem>>
    %dma_wait3A_1169 = tpu.memref_squeeze %dma_wait3A_1168 : memref<1x5000x128xf32, #tpu.memory_space<vmem>> -> memref<5000x128xf32, #tpu.memory_space<vmem>>
    %dma_wait3A_1170 = arith.constant 95000 : i32
    %dma_wait3A_1171 = arith.constant 0 : i32
    %dma_wait3A_1172 = tpu.memref_slice %arg0[%dma_wait3A_1170, %dma_wait3A_1171] : memref<100000x128xf32, #tpu.memory_space<hbm>> -> memref<5000x128xf32, #tpu.memory_space<hbm>>
    tpu.wait_dma2 semaphore(%arg8 : memref<!tpu.dma_semaphore, #tpu.memory_space<semaphore_mem>>) src(%dma_wait3A_1172 : memref<5000x128xf32, #tpu.memory_space<hbm>>) dst(%dma_wait3A_1169 : memref<5000x128xf32, #tpu.memory_space<vmem>>)
    %dma_start3A_1173 = arith.constant 3 : i32
    %dma_start3A_1174 = arith.constant 95000 : i32
    %dma_start3A_1175 = arith.constant 0 : i32
    %dma_start3A_1176 = tpu.memref_slice %arg2[%dma_start3A_1174, %dma_start3A_1175] : memref<100000x128xf32, #tpu.memory_space<hbm>> -> memref<5000x128xf32, #tpu.memory_space<hbm>>
    %dma_start3A_1177 = arith.constant 0 : i32
    %dma_start3A_1178 = arith.constant 0 : i32
    %dma_start3A_1179 = tpu.memref_slice %arg4[%dma_start3A_1173, %dma_start3A_1177, %dma_start3A_1178] : memref<4x5000x128xf32, #tpu.memory_space<vmem>> -> memref<1x5000x128xf32, #tpu.memory_space<vmem>>
    %dma_start3A_1180 = tpu.memref_squeeze %dma_start3A_1179 : memref<1x5000x128xf32, #tpu.memory_space<vmem>> -> memref<5000x128xf32, #tpu.memory_space<vmem>>
    tpu.enqueue_dma source(%dma_start3A_1180 : memref<5000x128xf32, #tpu.memory_space<vmem>>) target(%dma_start3A_1176 : memref<5000x128xf32, #tpu.memory_space<hbm>>) target_semaphore(%arg10 : memref<!tpu.dma_semaphore, #tpu.memory_space<semaphore_mem>>)
    %dma_wait3A_1181 = arith.constant 0 : i32
    %dma_wait3A_1182 = arith.constant 80000 : i32
    %dma_wait3A_1183 = arith.constant 0 : i32
    %dma_wait3A_1184 = tpu.memref_slice %arg2[%dma_wait3A_1182, %dma_wait3A_1183] : memref<100000x128xf32, #tpu.memory_space<hbm>> -> memref<5000x128xf32, #tpu.memory_space<hbm>>
    %dma_wait3A_1185 = arith.constant 0 : i32
    %dma_wait3A_1186 = arith.constant 0 : i32
    %dma_wait3A_1187 = tpu.memref_slice %arg4[%dma_wait3A_1181, %dma_wait3A_1185, %dma_wait3A_1186] : memref<4x5000x128xf32, #tpu.memory_space<vmem>> -> memref<1x5000x128xf32, #tpu.memory_space<vmem>>
    %dma_wait3A_1188 = tpu.memref_squeeze %dma_wait3A_1187 : memref<1x5000x128xf32, #tpu.memory_space<vmem>> -> memref<5000x128xf32, #tpu.memory_space<vmem>>
    tpu.wait_dma2 semaphore(%arg9 : memref<!tpu.dma_semaphore, #tpu.memory_space<semaphore_mem>>) src(%dma_wait3A_1188 : memref<5000x128xf32, #tpu.memory_space<vmem>>) dst(%dma_wait3A_1184 : memref<5000x128xf32, #tpu.memory_space<hbm>>)
    %dma_wait3A_1189 = arith.constant 1 : i32
    %dma_wait3A_1190 = arith.constant 85000 : i32
    %dma_wait3A_1191 = arith.constant 0 : i32
    %dma_wait3A_1192 = tpu.memref_slice %arg2[%dma_wait3A_1190, %dma_wait3A_1191] : memref<100000x128xf32, #tpu.memory_space<hbm>> -> memref<5000x128xf32, #tpu.memory_space<hbm>>
    %dma_wait3A_1193 = arith.constant 0 : i32
    %dma_wait3A_1194 = arith.constant 0 : i32
    %dma_wait3A_1195 = tpu.memref_slice %arg4[%dma_wait3A_1189, %dma_wait3A_1193, %dma_wait3A_1194] : memref<4x5000x128xf32, #tpu.memory_space<vmem>> -> memref<1x5000x128xf32, #tpu.memory_space<vmem>>
    %dma_wait3A_1196 = tpu.memref_squeeze %dma_wait3A_1195 : memref<1x5000x128xf32, #tpu.memory_space<vmem>> -> memref<5000x128xf32, #tpu.memory_space<vmem>>
    tpu.wait_dma2 semaphore(%arg10 : memref<!tpu.dma_semaphore, #tpu.memory_space<semaphore_mem>>) src(%dma_wait3A_1196 : memref<5000x128xf32, #tpu.memory_space<vmem>>) dst(%dma_wait3A_1192 : memref<5000x128xf32, #tpu.memory_space<hbm>>)
    %dma_wait3A_1197 = arith.constant 2 : i32
    %dma_wait3A_1198 = arith.constant 90000 : i32
    %dma_wait3A_1199 = arith.constant 0 : i32
    %dma_wait3A_1200 = tpu.memref_slice %arg2[%dma_wait3A_1198, %dma_wait3A_1199] : memref<100000x128xf32, #tpu.memory_space<hbm>> -> memref<5000x128xf32, #tpu.memory_space<hbm>>
    %dma_wait3A_1201 = arith.constant 0 : i32
    %dma_wait3A_1202 = arith.constant 0 : i32
    %dma_wait3A_1203 = tpu.memref_slice %arg4[%dma_wait3A_1197, %dma_wait3A_1201, %dma_wait3A_1202] : memref<4x5000x128xf32, #tpu.memory_space<vmem>> -> memref<1x5000x128xf32, #tpu.memory_space<vmem>>
    %dma_wait3A_1204 = tpu.memref_squeeze %dma_wait3A_1203 : memref<1x5000x128xf32, #tpu.memory_space<vmem>> -> memref<5000x128xf32, #tpu.memory_space<vmem>>
    tpu.wait_dma2 semaphore(%arg9 : memref<!tpu.dma_semaphore, #tpu.memory_space<semaphore_mem>>) src(%dma_wait3A_1204 : memref<5000x128xf32, #tpu.memory_space<vmem>>) dst(%dma_wait3A_1200 : memref<5000x128xf32, #tpu.memory_space<hbm>>)
    %dma_wait3A_1205 = arith.constant 3 : i32
    %dma_wait3A_1206 = arith.constant 95000 : i32
    %dma_wait3A_1207 = arith.constant 0 : i32
    %dma_wait3A_1208 = tpu.memref_slice %arg2[%dma_wait3A_1206, %dma_wait3A_1207] : memref<100000x128xf32, #tpu.memory_space<hbm>> -> memref<5000x128xf32, #tpu.memory_space<hbm>>
    %dma_wait3A_1209 = arith.constant 0 : i32
    %dma_wait3A_1210 = arith.constant 0 : i32
    %dma_wait3A_1211 = tpu.memref_slice %arg4[%dma_wait3A_1205, %dma_wait3A_1209, %dma_wait3A_1210] : memref<4x5000x128xf32, #tpu.memory_space<vmem>> -> memref<1x5000x128xf32, #tpu.memory_space<vmem>>
    %dma_wait3A_1212 = tpu.memref_squeeze %dma_wait3A_1211 : memref<1x5000x128xf32, #tpu.memory_space<vmem>> -> memref<5000x128xf32, #tpu.memory_space<vmem>>
    tpu.wait_dma2 semaphore(%arg10 : memref<!tpu.dma_semaphore, #tpu.memory_space<semaphore_mem>>) src(%dma_wait3A_1212 : memref<5000x128xf32, #tpu.memory_space<vmem>>) dst(%dma_wait3A_1208 : memref<5000x128xf32, #tpu.memory_space<hbm>>)
    %dma_wait3A_1213 = arith.constant 0 : i32
    %dma_wait3A_1214 = arith.constant 0 : i32
    %dma_wait3A_1215 = tpu.memref_slice %arg3[%dma_wait3A_1213, %dma_wait3A_1214] : memref<8192x128xf32, #tpu.memory_space<hbm>> -> memref<1024x128xf32, #tpu.memory_space<hbm>>
    %dma_wait3A_1216 = arith.constant 0 : i32
    %dma_wait3A_1217 = arith.constant 0 : i32
    %dma_wait3A_1218 = tpu.memref_slice %arg6[%dma_wait3A_1216, %dma_wait3A_1217] : memref<8192x128xf32, #tpu.memory_space<vmem>> -> memref<1024x128xf32, #tpu.memory_space<vmem>>
    tpu.wait_dma2 semaphore(%arg12 : memref<!tpu.dma_semaphore, #tpu.memory_space<semaphore_mem>>) src(%dma_wait3A_1218 : memref<1024x128xf32, #tpu.memory_space<vmem>>) dst(%dma_wait3A_1215 : memref<1024x128xf32, #tpu.memory_space<hbm>>)
    %dma_wait3A_1219 = arith.constant 1024 : i32
    %dma_wait3A_1220 = arith.constant 0 : i32
    %dma_wait3A_1221 = tpu.memref_slice %arg3[%dma_wait3A_1219, %dma_wait3A_1220] : memref<8192x128xf32, #tpu.memory_space<hbm>> -> memref<1024x128xf32, #tpu.memory_space<hbm>>
    %dma_wait3A_1222 = arith.constant 1024 : i32
    %dma_wait3A_1223 = arith.constant 0 : i32
    %dma_wait3A_1224 = tpu.memref_slice %arg6[%dma_wait3A_1222, %dma_wait3A_1223] : memref<8192x128xf32, #tpu.memory_space<vmem>> -> memref<1024x128xf32, #tpu.memory_space<vmem>>
    tpu.wait_dma2 semaphore(%arg12 : memref<!tpu.dma_semaphore, #tpu.memory_space<semaphore_mem>>) src(%dma_wait3A_1224 : memref<1024x128xf32, #tpu.memory_space<vmem>>) dst(%dma_wait3A_1221 : memref<1024x128xf32, #tpu.memory_space<hbm>>)
    %dma_wait3A_1225 = arith.constant 2048 : i32
    %dma_wait3A_1226 = arith.constant 0 : i32
    %dma_wait3A_1227 = tpu.memref_slice %arg3[%dma_wait3A_1225, %dma_wait3A_1226] : memref<8192x128xf32, #tpu.memory_space<hbm>> -> memref<1024x128xf32, #tpu.memory_space<hbm>>
    %dma_wait3A_1228 = arith.constant 2048 : i32
    %dma_wait3A_1229 = arith.constant 0 : i32
    %dma_wait3A_1230 = tpu.memref_slice %arg6[%dma_wait3A_1228, %dma_wait3A_1229] : memref<8192x128xf32, #tpu.memory_space<vmem>> -> memref<1024x128xf32, #tpu.memory_space<vmem>>
    tpu.wait_dma2 semaphore(%arg12 : memref<!tpu.dma_semaphore, #tpu.memory_space<semaphore_mem>>) src(%dma_wait3A_1230 : memref<1024x128xf32, #tpu.memory_space<vmem>>) dst(%dma_wait3A_1227 : memref<1024x128xf32, #tpu.memory_space<hbm>>)
    %dma_wait3A_1231 = arith.constant 3072 : i32
    %dma_wait3A_1232 = arith.constant 0 : i32
    %dma_wait3A_1233 = tpu.memref_slice %arg3[%dma_wait3A_1231, %dma_wait3A_1232] : memref<8192x128xf32, #tpu.memory_space<hbm>> -> memref<1024x128xf32, #tpu.memory_space<hbm>>
    %dma_wait3A_1234 = arith.constant 3072 : i32
    %dma_wait3A_1235 = arith.constant 0 : i32
    %dma_wait3A_1236 = tpu.memref_slice %arg6[%dma_wait3A_1234, %dma_wait3A_1235] : memref<8192x128xf32, #tpu.memory_space<vmem>> -> memref<1024x128xf32, #tpu.memory_space<vmem>>
    tpu.wait_dma2 semaphore(%arg12 : memref<!tpu.dma_semaphore, #tpu.memory_space<semaphore_mem>>) src(%dma_wait3A_1236 : memref<1024x128xf32, #tpu.memory_space<vmem>>) dst(%dma_wait3A_1233 : memref<1024x128xf32, #tpu.memory_space<hbm>>)
    %dma_wait3A_1237 = arith.constant 4096 : i32
    %dma_wait3A_1238 = arith.constant 0 : i32
    %dma_wait3A_1239 = tpu.memref_slice %arg3[%dma_wait3A_1237, %dma_wait3A_1238] : memref<8192x128xf32, #tpu.memory_space<hbm>> -> memref<1024x128xf32, #tpu.memory_space<hbm>>
    %dma_wait3A_1240 = arith.constant 4096 : i32
    %dma_wait3A_1241 = arith.constant 0 : i32
    %dma_wait3A_1242 = tpu.memref_slice %arg6[%dma_wait3A_1240, %dma_wait3A_1241] : memref<8192x128xf32, #tpu.memory_space<vmem>> -> memref<1024x128xf32, #tpu.memory_space<vmem>>
    tpu.wait_dma2 semaphore(%arg12 : memref<!tpu.dma_semaphore, #tpu.memory_space<semaphore_mem>>) src(%dma_wait3A_1242 : memref<1024x128xf32, #tpu.memory_space<vmem>>) dst(%dma_wait3A_1239 : memref<1024x128xf32, #tpu.memory_space<hbm>>)
    %dma_wait3A_1243 = arith.constant 5120 : i32
    %dma_wait3A_1244 = arith.constant 0 : i32
    %dma_wait3A_1245 = tpu.memref_slice %arg3[%dma_wait3A_1243, %dma_wait3A_1244] : memref<8192x128xf32, #tpu.memory_space<hbm>> -> memref<1024x128xf32, #tpu.memory_space<hbm>>
    %dma_wait3A_1246 = arith.constant 5120 : i32
    %dma_wait3A_1247 = arith.constant 0 : i32
    %dma_wait3A_1248 = tpu.memref_slice %arg6[%dma_wait3A_1246, %dma_wait3A_1247] : memref<8192x128xf32, #tpu.memory_space<vmem>> -> memref<1024x128xf32, #tpu.memory_space<vmem>>
    tpu.wait_dma2 semaphore(%arg12 : memref<!tpu.dma_semaphore, #tpu.memory_space<semaphore_mem>>) src(%dma_wait3A_1248 : memref<1024x128xf32, #tpu.memory_space<vmem>>) dst(%dma_wait3A_1245 : memref<1024x128xf32, #tpu.memory_space<hbm>>)
    %dma_wait3A_1249 = arith.constant 6144 : i32
    %dma_wait3A_1250 = arith.constant 0 : i32
    %dma_wait3A_1251 = tpu.memref_slice %arg3[%dma_wait3A_1249, %dma_wait3A_1250] : memref<8192x128xf32, #tpu.memory_space<hbm>> -> memref<1024x128xf32, #tpu.memory_space<hbm>>
    %dma_wait3A_1252 = arith.constant 6144 : i32
    %dma_wait3A_1253 = arith.constant 0 : i32
    %dma_wait3A_1254 = tpu.memref_slice %arg6[%dma_wait3A_1252, %dma_wait3A_1253] : memref<8192x128xf32, #tpu.memory_space<vmem>> -> memref<1024x128xf32, #tpu.memory_space<vmem>>
    tpu.wait_dma2 semaphore(%arg12 : memref<!tpu.dma_semaphore, #tpu.memory_space<semaphore_mem>>) src(%dma_wait3A_1254 : memref<1024x128xf32, #tpu.memory_space<vmem>>) dst(%dma_wait3A_1251 : memref<1024x128xf32, #tpu.memory_space<hbm>>)
    %dma_wait3A_1255 = arith.constant 7168 : i32
    %dma_wait3A_1256 = arith.constant 0 : i32
    %dma_wait3A_1257 = tpu.memref_slice %arg3[%dma_wait3A_1255, %dma_wait3A_1256] : memref<8192x128xf32, #tpu.memory_space<hbm>> -> memref<1024x128xf32, #tpu.memory_space<hbm>>
    %dma_wait3A_1258 = arith.constant 7168 : i32
    %dma_wait3A_1259 = arith.constant 0 : i32
    %dma_wait3A_1260 = tpu.memref_slice %arg6[%dma_wait3A_1258, %dma_wait3A_1259] : memref<8192x128xf32, #tpu.memory_space<vmem>> -> memref<1024x128xf32, #tpu.memory_space<vmem>>
    tpu.wait_dma2 semaphore(%arg12 : memref<!tpu.dma_semaphore, #tpu.memory_space<semaphore_mem>>) src(%dma_wait3A_1260 : memref<1024x128xf32, #tpu.memory_space<vmem>>) dst(%dma_wait3A_1257 : memref<1024x128xf32, #tpu.memory_space<hbm>>)
    return
  }
}

</mosaic_0001>

<sc_bundles>
// kernel: kernel.4.cloned.1.call-start
scs
__scs_entry_jumppad:
0x0: {  	(pc) =	sbr.rel $0x88, $3  }
0x1: {  	(tag) =	ssettag $0x0;
	lr =	simm.s32 $0x1  }
0x2: {  	[smem:$0x3F9E] =	sst lr;
	_ =	strace $0xD0000000  }
0x3: {  	_ = 	snop  }
0x4: {  	_ = 	snop  }
0x5: {  	_ = 	snop  }
0x6: {  	_ = 	snop  }
0x7: {  	_ = 	snop  }
__scs_overlays_trampoline_lowered:
0x8: {  	[smem:$0x3FAD] =	sst s0  }
0x9: {  	[smem:$0x3FAE] =	sst s1  }
0xa: {  	[smem:$0x3FAF] =	sst s2  }
0xb: {  	[smem:$0x3FB0] =	sst s3  }
0xc: {  	[smem:$0x3FB1] =	sst s4  }
0xd: {  	[smem:$0x3FB2] =	sst s5  }
0xe: {  	[smem:$0x3FB3] =	sst s6  }
0xf: {  	[smem:$0x3FB4] =	sst s7  }
0x10: {  	[smem:$0x3FB5] =	sst s8  }
0x11: {  	[smem:$0x3FB6] =	sst s9;
	s0 =	simm.s32 @!p0 $0x0  }
0x12: {  	s1 =	sld [smem:$0x3F9C];
	s0 =	simm.s32 @p0 $0x1  }
0x13: {  	[smem:$0x3FB7] =	sst s0;
	s0 =	simm.s32 @!p1 $0x0  }
0x14: {  	s2 =	sld [smem:$0x3F9B];
	s0 =	simm.s32 @p1 $0x1  }
0x15: {  	[smem:$0x3FB8] =	sst s0;
	s0 =	simm.s32 @!p2 $0x0  }
0x16: {  	s3 =	sld [smem:$0x3FDB];
	s0 =	simm.s32 @p2 $0x1  }
0x17: {  	s4 =	simm.s32 $0x1BF5;
	[smem:$0x3FBA] =	sst s0  }
0x18: {  	s0 =	sld [smem:$0x3F9D];
	_ =	swait.ge [sflag:s4], $0x0  }
0x19: {  	s7 =	sld [smem:$0x3F9E]  }
0x1a: {  	s8 =	sadd.s32 $0xFFFFE003, lr  }
0x1b: {  	s9 =	sadd.s32 $0xFFFFFEF7, lr;
	s5 =	simm.s32 $0xFFFFFFFF;
	p2 =	slt.u32 s8, $0xFFFFF086  }
0x1c: {  	p1 =	slt.u32 s9, $0xF7A;
	s5 =	simm.s32 @!p2 $0x0  }
0x1d: {  	s5 =	simm.s32 @p1 $0x1;
	p0 =	seq.s32 s7, s2  }
0x1e: {  	s7 =	smul.u32 @!p0 $0xF7A, s2;
	p2 =	seq.s32 @!p0 s5, $0x0  }
0x1f: {  	s9 =	smul.u32 $0xF7A, s1;
	s8 =	simm.s32 @!p0 $0x1BF5;
	p2 =	por !p2, p0  }
0x20: {  	[sflag:s8] =	ssyncset.s32 @!p0 $0xFFFFF086;
	s6 =	sadd.s32 @!p0 s3, s7;
	s7 =	simm.s32 @!p0 $0x108  }
0x21: {  	s3 =	sadd.s32 s3, s9;
	s6 =	sadd.s32 @!p0 $0x88, s6;
	s7 =	simm.s32 @p2 $0x1082  }
0x22: {  	[simem:s7], [sflag:s8] =	dma.local @!p0 [hbm:s6], $0xF7A  }
0x23: {  	s9 =	sor.u32 $0xD0000000, s2;
	s6 =	simm.s32 $0x108;
	_ =	swait.ge @!p0 [sflag:s8], $0x0  }
0x24: {  	s3 =	sadd.s32 $0x88, s3;
	s6 =	simm.s32 @!p1 $0x1082;
	[sflag:s4] =	ssyncset.s32 $0xFFFFF086  }
0x25: {  	[simem:s6], [sflag:s4] =	dma.local [hbm:s3], $0xF7A  }
0x26: {  	[smem:$0x3F9E] =	sst s1;
	(tag) =	ssettag s2;
	_ =	strace s9  }
0x27: {  	s1 =	sld [smem:$0x3FAE]  }
0x28: {  	s2 =	sld [smem:$0x3FAF]  }
0x29: {  	s4 =	sld [smem:$0x3FB1]  }
0x2a: {  	p0 =	seq.s32 s5, $0x0;
	s5 =	sld [smem:$0x3FB2]  }
0x2b: {  	s6 =	sld [smem:$0x3FB3]  }
0x2c: {  	s7 =	sld [smem:$0x3FB4]  }
0x2d: {  	s3 =	simm.s32 $0x108;
	s8 =	sld [smem:$0x3FB5]  }
0x2e: {  	s3 =	simm.s32 @!p0 $0x1082;
	s9 =	sld [smem:$0x3FB6]  }
0x2f: {  	lr =	sadd.s32 s0, s3;
	s0 =	sld [smem:$0x3FAD]  }
0x30: {  	s3 =	sld [smem:$0x3FB0]  }
0x31: {  	[smem:$0x3FB9] =	sst s10  }
0x32: {  	s10 =	sld [smem:$0x3FB7];
	_ =	sdelay $0x3  }
0x33: {  	p0 =	seq.s32 s10, $0x1;
	s10 =	sld [smem:$0x3FB9];
	_ =	sdelay $0x3  }
0x34: {  	[smem:$0x3FB9] =	sst s10  }
0x35: {  	s10 =	sld [smem:$0x3FB8];
	_ =	sdelay $0x3  }
0x36: {  	p1 =	seq.s32 s10, $0x1;
	s10 =	sld [smem:$0x3FB9];
	_ =	sdelay $0x3  }
0x37: {  	[smem:$0x3FB9] =	sst s10  }
0x38: {  	s10 =	sld [smem:$0x3FBA]  }
0x39: {  	_ = 	snop;
	(pc) =	sbr.ind lr, $3  }
0x3a: {  	_ = 	snop  }
0x3b: {  	_ = 	snop  }
0x3c: {  	p2 =	seq.s32 s10, $0x1;
	s10 =	sld [smem:$0x3FB9]  }
0x3d: {  	_ =	shalt  }
0x3e: {  	_ =	shalt  }
0x3f: {  	_ =	shalt  }
0x40: {  	_ =	shalt  }
0x41: {  	_ =	shalt  }
0x42: {  	_ =	shalt  }
0x43: {  	_ =	shalt  }
0x44: {  	_ =	shalt  }
0x45: {  	_ =	shalt  }
0x46: {  	_ =	shalt  }
0x47: {  	_ =	shalt  }
0x48: {  	_ =	shalt  }
0x49: {  	_ =	shalt  }
0x4a: {  	_ =	shalt  }
0x4b: {  	_ =	shalt  }
0x4c: {  	_ =	shalt  }
0x4d: {  	_ =	shalt  }
0x4e: {  	_ =	shalt  }
0x4f: {  	_ =	shalt  }
0x50: {  	_ =	shalt  }
0x51: {  	_ =	shalt  }
0x52: {  	_ =	shalt  }
0x53: {  	_ =	shalt  }
0x54: {  	_ =	shalt  }
0x55: {  	_ =	shalt  }
0x56: {  	_ =	shalt  }
0x57: {  	_ =	shalt  }
0x58: {  	_ =	shalt  }
0x59: {  	_ =	shalt  }
0x5a: {  	_ =	shalt  }
0x5b: {  	_ =	shalt  }
0x5c: {  	_ =	shalt  }
0x5d: {  	_ =	shalt  }
0x5e: {  	_ =	shalt  }
0x5f: {  	_ =	shalt  }
0x60: {  	_ =	shalt  }
0x61: {  	_ =	shalt  }
0x62: {  	_ =	shalt  }
0x63: {  	_ =	shalt  }
0x64: {  	_ =	shalt  }
0x65: {  	_ =	shalt  }
0x66: {  	_ =	shalt  }
0x67: {  	_ =	shalt  }
0x68: {  	_ =	shalt  }
0x69: {  	_ =	shalt  }
0x6a: {  	_ =	shalt  }
0x6b: {  	_ =	shalt  }
0x6c: {  	_ =	shalt  }
0x6d: {  	_ =	shalt  }
0x6e: {  	_ =	shalt  }
0x6f: {  	_ =	shalt  }
0x70: {  	_ =	shalt  }
0x71: {  	_ =	shalt  }
0x72: {  	_ =	shalt  }
0x73: {  	_ =	shalt  }
0x74: {  	_ =	shalt  }
0x75: {  	_ =	shalt  }
0x76: {  	_ =	shalt  }
0x77: {  	_ =	shalt  }
0x78: {  	_ =	shalt  }
0x79: {  	_ =	shalt  }
0x7a: {  	_ =	shalt  }
0x7b: {  	_ =	shalt  }
0x7c: {  	_ =	shalt  }
0x7d: {  	_ =	shalt  }
0x7e: {  	_ =	shalt  }
0x7f: {  	_ =	shalt  }
0x80: {  	_ =	shalt  }
0x81: {  	_ =	shalt  }
0x82: {  	_ =	shalt  }
0x83: {  	_ =	shalt  }
0x84: {  	_ =	shalt  }
0x85: {  	_ =	shalt  }
0x86: {  	_ =	shalt  }
0x87: {  	_ =	shalt  }
.Lfunc_end0:
.L_simem_size_0:
called_computation_lowered:
.L_overlay_start_0:
0x88: {  	s2 =	sld [smem:$0x3FD9]  }
0x89: {  	s3 =	sld [smem:$0x3FFE];
	_ =	sdelay $0x1  }
0x8a: {  	s1 =	srdreg.scid  }
0x8b: {  	s0 =	sand.u32 $0x1, s1  }
0x8c: {  	s17 =	sshll.u32 s0, $0xA;
	s2 =	sadd.s32 s3, s2  }
0x8d: {  	s2 =	sadd.s32 s2, s17  }
0x8e: {  	[smem:$0x3FC5] =	sst s2  }
0x8f: {  	_ = 	snop  }
0x90: {  	s2 =	sld [smem:$0x3FD0];
	(tm) =	ssettm $0x1  }
0x91: {  	s18 =	sld [smem:$0x3FFB];
	_ =	sdelay $0x3  }
0x92: {  	_ =	strace s18  }
0x93: {  	s3 =	sld [smem:$0x3FFC];
	_ =	sdelay $0x3  }
0x94: {  	_ =	strace s3  }
0x95: {  	s3 =	sld [smem:$0x3FFD];
	_ =	sdelay $0x3  }
0x96: {  	_ =	strace s3  }
0x97: {  	_ =	strace $0x8FFFFFFF  }
0x98: {  	s19 =	sld [smem:$0x3FDB];
	_ =	sdelay $0x1  }
0x99: {  	s4 =	simm.s32 $_scs_section_size  }
0x9a: {  	s5 =	simm.s32 $_size__tile_overlayer_lowered;
	s6 =	simm.s32 $_tile_overlayer_lowered  }
0x9b: {  	s22 =	simm.s32 $0x1BFF;
	s21 =	sshll.u32 s6, $0x1;
	s3 =	sadd.s32 s4, s19  }
0x9c: {  	s7 =	simm.s32 $0x0;
	s20 =	sshll.u32 s5, $0x1;
	s5 =	sadd.s32 s21, s3  }
0x9d: {  	[timem:s7], [sflag:s22] =	dma.local [hbm:s5], s20  }
0x9e: {  	_ =	swait.ge [sflag:s22], s20  }
0x9f: {  	s4 =	ssub.s32 $0x0, s20;
	[sflag:s22] =	ssyncset.done $0x0  }
0xa0: {  	[sflag:s22] =	ssyncadd.s32 s4;
	_ =	sdelay $0x1  }
0xa1: {  	s23 =	simm.s32 $0x1B8B  }
0xa2: {  	_ =	swait.ge [sflag:s23], $0x1  }
0xa3: {  	[sflag:s23] =	ssyncset.done $0x0  }
0xa4: {  	s25 =	simm.s32 $0x1B8E;
	s24 =	sld [smem:$0x3FFE];
	[sflag:s23] =	ssyncadd.s32 $0xFFFFFFFF  }
0xa5: {  	s26 =	simm.s32 $execute0_lowered;
	[smem:$0x3FD2] =	sst s25  }
0xa6: {  	s5 =	sshll.u32 s26, $0x1;
	_ =	strace $0x80000046;
	[dreg:$0x1] =	wrdreg $0xFFFFFFFF  }
0xa7: {  	s28 =	simm.s32 $_size_execute0_lowered;
	s3 =	sadd.s32 s3, s5;
	[dreg:$0x0] =	wrdreg $0x0  }
0xa8: {  	s5 =	sshll.u32 s28, $0x1;
	[dreg:$0x2] =	wrdreg s3  }
0xa9: {  	[dreg:$0x3] =	wrdreg s5  }
0xaa: {  	[dreg:$0x4] =	wrdreg $0xC0  }
0xab: {  	_ =	task [dreg:s7], $0x5FFFF  }
0xac: {  	[dreg:$0x1] =	wrdreg $0xFFFFFFFF  }
0xad: {  	[dreg:$0x0] =	wrdreg $0x60  }
0xae: {  	[dreg:$0x2] =	wrdreg s24  }
0xaf: {  	[dreg:$0x3] =	wrdreg s2  }
0xb0: {  	[dreg:$0x4] =	wrdreg $0x9  }
0xb1: {  	_ =	task.clear_ibuf [dreg:s7], $0x5FFFF;
	_ =	strace $0x90000046  }
0xb2: {  	s29 =	simm.s32 $0x9;
	_ =	strace $0x80000048  }
0xb3: {  	_ =	swait.ge [sflag:s29], $0x1  }
0xb4: {  	[sflag:s29] =	ssyncadd.s32 $0xFFFFFFFF  }
0xb5: {  	_ =	strace $0x90000048  }
0xb6: {  	_ =	sfence  }
0xb7: {  	s30 =	sld [smem:$0x0];
	_ =	sdelay $0x2  }
0xb8: {  	s31 =	sshll.u32 s1, $0xD;
	s1 =	sshrl.u32 s1, $0x2  }
0xb9: {  	s3 =	sand.u32 $0x4000, s31;
	s1 =	sadd.s32 s1, s30  }
0xba: {  	s0 =	sor.u32 s3, s0;
	s1 =	sshll.u32 s1, $0x11  }
0xbb: {  	s0 =	sor.u32 s1, s0  }
0xbc: {  	s0 =	sadd.s32 $0x8F2B, s0  }
0xbd: {  	[sflag:s0] =	ssyncadd.remote.s32 $0x1  }
0xbe: {  	_ =	sfence.sel $0xFFFF  }
0xbf: {  	[dreg:$0x0] =	wrdreg $0xFFFFFFFF;
	(pc) =	sbr.abs _section_cstart, $3  }
0xc0: {  	[dreg:$0x1] =	wrdreg $0xFFFFFFFF  }
0xc1: {  	_ =	task.clear_ibuf [dreg:s7], $0x2FFFF;
	_ =	strace $0x9FFFFFFF  }
0xc2: {  	(tm) =	ssettm $0x7FFFFFFF  }
0xc3: {  	_ =	shalt  }
tec
execute0_lowered:
.L_overlay_start_1:
0x0: {  	(tag) =	ssettag $0x1  }
0x1: {  	s1 =	srdreg.scid;
	s0 =	stileid.u32  }
0x2: {  	s4 =	rddreg [dreg:$0x0];
	s9 =	sand.u32 $0x1, s1;
	s31 =	sshll.u32 s0, $0x1  }
0x3: {  	s2 =	rddreg [dreg:$0x1];
	s5 =	sor.u32 s9, s31  }
0x4: {  	s3 =	simm.s32 $0x0;
	s1 =	rddreg [dreg:$0x2];
	s6 =	sshll.u32 s5, $0x5  }
0x5: {  	[smem:$0x7FF] =	sst s3;
	s5 =	sshll.u32 s5, $0xC;
	s6 =	sadd.s32 s6, s4  }
0x6: {  	_ =	strace $0x80000047;
	s5 =	sadd.s32 s5, s4;
	s4 =	sadd.s32 $0xA00, s6  }
0x7: {  	[tilespmem:s3], [sflag:$0x1] =	stream.linear.gather [hbm4b:s4+s3], $0x100, $0x38;
	[tilespmem:$0x8100] =	vst v63  }
0x8: {  	s7 =	simm.s32 $0x1;
	s5 =	sadd.s32 $0xE00, s5;
	s6 =	simm.s32 $0x100  }
0x9: {  	[tilespmem:s6], [sflag:$0x1] =	stream.linear.gather [hbm4b:s5+s3], $0x8000, $0x38;
	[tilespmem:$0x8100] =	vst v63  }
0xa: {  	_ =	swait.ge [sflag:s7], $0x100  }
0xb: {  	[sflag:s7] =	ssyncset.done $0x0  }
0xc: {  	s11 =	ssub.s32 $0x2, s9;
	[sflag:s7] =	ssyncadd.s32 $0xFFFFFF00  }
0xd: {  	s12 =	sshrl.u32 s11, $0x1;
	_ =	swait.ge [sflag:s7], $0x8000  }
0xe: {  	s11 =	ssub.s32 s11, s12;
	[sflag:s7] =	ssyncset.done $0x0  }
0xf: {  	s8 =	simm.s32 $0x80;
	s11 =	smax.u32 s11, $0x1;
	[sflag:s7] =	ssyncadd.s32 $0xFFFF8000  }
0x10: {  	[hbm4b:s2+s8] =	stream.indirect.scatter [tilespmem:s6], [sflag:$0x2], $0x80, s3, s8, $0xb8;
	[tilespmem:$0x8100] =	vst v63  }
0x11: {  	s10 =	simm.s32 $0x4100;
	s9 =	simm.s32 $0x2;
	p0 =	sne.s32 s11, $0x1  }
0x12: {  	[hbm4b:s2+s8] =	stream.indirect.scatter [tilespmem:s10], [sflag:$0x2], $0x80, s8, s8, $0xb8;
	[tilespmem:$0x8100] =	vst v63  }
.Ltmp0:
0x13: {  	_ =	swait.ge [sflag:s9], $0x4000;
	(pc) =	sbr.rel @!p0 .LBB2_2-.Ltmp0, $4  }
0x14: {  	[sflag:s9] =	ssyncset.done $0x0  }
0x15: {  	[sflag:s9] =	ssyncadd.s32 $0xFFFFC000  }
0x16: {  	_ =	swait.ge [sflag:s9], $0x4000  }
0x17: {  	s11 =	sadd.s32 $0xFFFFFFFF, s11;
	[sflag:s9] =	ssyncset.done $0x0  }
.LBB2_1:
0x18: {  	p0 =	sne.s32 s11, $0x1;
	s11 =	sadd.s32 $0xFFFFFFFF, s11;
	[sflag:s9] =	ssyncadd.s32 $0xFFFFC000  }
0x19: {  	[tilespmem:s3], [sflag:$0x1] =	stream.linear.gather [hbm4b:s4+s3], $0x100, $0x38;
	[tilespmem:$0x8100] =	vst v63  }
0x1a: {  	_ = 	snop  }
0x1b: {  	[tilespmem:s6], [sflag:$0x1] =	stream.linear.gather [hbm4b:s5+s3], $0x8000, $0x38;
	[tilespmem:$0x8100] =	vst v63  }
0x1c: {  	_ =	swait.ge [sflag:s7], $0x100  }
0x1d: {  	[sflag:s7] =	ssyncset.done $0x0  }
0x1e: {  	[sflag:s7] =	ssyncadd.s32 $0xFFFFFF00  }
0x1f: {  	_ =	swait.ge [sflag:s7], $0x8000  }
0x20: {  	[sflag:s7] =	ssyncset.done $0x0  }
0x21: {  	[sflag:s7] =	ssyncadd.s32 $0xFFFF8000  }
0x22: {  	[hbm4b:s2+s8] =	stream.indirect.scatter [tilespmem:s6], [sflag:$0x2], $0x80, s3, s8, $0xb8;
	[tilespmem:$0x8100] =	vst v63  }
0x23: {  	_ = 	snop  }
0x24: {  	[hbm4b:s2+s8] =	stream.indirect.scatter [tilespmem:s10], [sflag:$0x2], $0x80, s8, s8, $0xb8;
	[tilespmem:$0x8100] =	vst v63  }
.Ltmp1:
0x25: {  	_ =	swait.ge [sflag:s9], $0x4000;
	(pc) =	sbr.rel @p0 .LBB2_1-.Ltmp1, $4  }
0x26: {  	[sflag:s9] =	ssyncset.done $0x0  }
0x27: {  	[sflag:s9] =	ssyncadd.s32 $0xFFFFC000  }
0x28: {  	_ =	swait.ge [sflag:s9], $0x4000  }
0x29: {  	[sflag:s9] =	ssyncset.done $0x0  }
.LBB2_2:
0x2a: {  	[sflag:s9] =	ssyncadd.s32 $0xFFFFC000  }
0x2b: {  	_ =	sfence.sel $0x180000  }
0x2c: {  	[bflag:$0x0] =	sbarrier.arrive $0xFFFF  }
0x2d: {  	p0 =	sne.s32 s0, $0x0;
	_ =	strace $0x90000047  }
0x2e: {  	s0 =	sadd.s32 @!p0 $0x100000, s1;
	[bflag:$0x2] =	sbarrier.arrive $0xFFFF  }
0x2f: {  	[sflag:s0] =	ssyncadd.tile.s32 @!p0 $0x1;
	_ =	shalt  }
.Lfunc_end2:
_tile_overlayer_lowered:
.L_overlay_start_2:
0x30: {  	(tag) =	ssettag $0x2  }
0x31: {  	s0 =	rddreg [dreg:$0x0];
	s2 =	stileid.u32  }
0x32: {  	s1 =	rddreg [dreg:$0x1];
	p0 =	sne.s32 s2, $0x0  }
0x33: {  	s3 =	rddreg [dreg:$0x2];
	[bflag:$0x3] =	sbarrier.arrive $0xFFFF;
	s2 =	simm.s32 @!p0 $0x1C03  }
0x34: {  	[timem:s3], [sflag:s2] =	dma.local @!p0 [hbm:s0], s1  }
0x35: {  	s0 =	simm.s32 @!p0 $0x3  }
0x36: {  	_ =	swait.ge @!p0 [sflag:s0], s1  }
0x37: {  	s1 =	ssub.s32 @!p0 $0x0, s1;
	[sflag:s0] =	ssyncset.done @!p0 $0x0  }
0x38: {  	[sflag:s0] =	ssyncadd.s32 @!p0 s1  }
0x39: {  	[bflag:$0x3] =	sbarrier.arrive $0xFFFF  }
0x3a: {  	_ =	shalt  }

</sc_bundles>
